<compile_context>
chip_gen: v7x
topology: tpu7x:2x2x1
jax: 0.10.2.dev20260603
libtpu: 0.0.44.dev20260713+nightly
codegen_flags: <defaults>
</compile_context>

<pallas_src>
import functools

import jax
import jax.numpy as jnp
from jax import lax
from jax.experimental import pallas as pl
from jax.experimental.pallas import tpu as pltpu
from jax.experimental.pallas import tpu_sc as plsc

N = 10000
E = 320000
D = 128
N_CLS = 16

NC = 2
NS = 16
NW = NC * NS
EPW = E // NW
CH = 80
NCH = EPW // CH
RPT = 624
REM_ROWS = N - NS * RPT

_mesh = plsc.VectorSubcoreMesh(core_axis_name="c", subcore_axis_name="s")


def _zero_vmem_2d(zb, nrows):
    def body(i, _):
        for j in range(D // 16):
            zb[i, pl.ds(j * 16, 16)] = jnp.zeros((16,), jnp.float32)
        return 0
    lax.fori_loop(0, nrows, body, 0)


@functools.partial(
    pl.kernel,
    out_type=jax.ShapeDtypeStruct((NC, N), jnp.float32),
    mesh=_mesh,
    scratch_types=[
        pltpu.VMEM((1, CH), jnp.int32),
        pltpu.VMEM((1, CH), jnp.float32),
        pltpu.VMEM((1024,), jnp.float32),
        pltpu.VMEM_SHARED((N,), jnp.float32),
    ],
)
def _deg_sc(dst_hbm, out_hbm, dstv, ones, zb, acc):
    cid = lax.axis_index("c")
    sid = lax.axis_index("s")
    w = sid * NC + cid

    def zb_body(i, _):
        zb[pl.ds(i * 16, 16)] = jnp.zeros((16,), jnp.float32)
        return 0
    lax.fori_loop(0, 64, zb_body, 0)
    for j in range(CH // 16):
        ones[0, pl.ds(j * 16, 16)] = jnp.full((16,), 1.0, jnp.float32)

    @pl.when(sid == 0)
    def _():
        def z_body(i, _):
            pltpu.sync_copy(zb, acc.at[pl.ds(i * 1024, 1024)])
            return 0
        lax.fori_loop(0, N // 1024, z_body, 0)
        pltpu.sync_copy(zb.at[pl.ds(0, N - (N // 1024) * 1024)],
                        acc.at[pl.ds((N // 1024) * 1024, N - (N // 1024) * 1024)])

    plsc.subcore_barrier()

    ebase = w * EPW

    def chunk(c, _):
        pltpu.sync_copy(dst_hbm.at[pl.ds(ebase + c * CH, CH)], dstv.at[0])
        pltpu.sync_copy(ones.at[0], acc.at[dstv.at[0]], add=True)
        return 0
    lax.fori_loop(0, NCH, chunk, 0)

    plsc.subcore_barrier()

    @pl.when(sid == 0)
    def _():
        pltpu.sync_copy(acc, out_hbm.at[cid])


@functools.partial(
    pl.kernel,
    out_type=jax.ShapeDtypeStruct((NC, N, D), jnp.float32),
    mesh=_mesh,
    scratch_types=[
        pltpu.VMEM((1, CH), jnp.int32),
        pltpu.VMEM((1, CH), jnp.int32),
        pltpu.VMEM((CH, D), jnp.float32),
        pltpu.VMEM((128, D), jnp.float32),
        pltpu.VMEM_SHARED((N, D), jnp.float32),
        pltpu.SemaphoreType.DMA,
    ],
)
def _msg_sc(y_hbm, src_hbm, dst_hbm, out_hbm, srcv, dstv, rows, zb, acc, gsem):
    cid = lax.axis_index("c")
    sid = lax.axis_index("s")
    w = sid * NC + cid

    _zero_vmem_2d(zb, 128)
    rbase = pl.multiple_of(sid * RPT, 8)
    rrem = RPT - (RPT // 128) * 128
    for j in range(RPT // 128):
        pltpu.sync_copy(zb, acc.at[pl.ds(rbase + j * 128, 128)])
    pltpu.sync_copy(zb.at[pl.ds(0, rrem)],
                    acc.at[pl.ds(rbase + (RPT // 128) * 128, rrem)])

    @pl.when(sid == 0)
    def _():
        pltpu.sync_copy(zb.at[pl.ds(0, REM_ROWS)],
                        acc.at[pl.ds(NS * RPT, REM_ROWS)])

    plsc.subcore_barrier()

    ebase = w * EPW

    def chunk(c, _):
        base = ebase + c * CH
        pltpu.sync_copy(src_hbm.at[pl.ds(base, CH)], srcv.at[0])
        pltpu.sync_copy(dst_hbm.at[pl.ds(base, CH)], dstv.at[0])
        pltpu.async_copy(y_hbm.at[srcv.at[0]], rows, gsem).wait()
        pltpu.sync_copy(rows, acc.at[dstv.at[0]], add=True)
        return 0
    lax.fori_loop(0, NCH, chunk, 0)

    plsc.subcore_barrier()

    for j in range(RPT // 128):
        pltpu.sync_copy(acc.at[pl.ds(rbase + j * 128, 128)],
                        out_hbm.at[cid, pl.ds(rbase + j * 128, 128)])
    pltpu.sync_copy(acc.at[pl.ds(rbase + (RPT // 128) * 128, rrem)],
                    out_hbm.at[cid, pl.ds(rbase + (RPT // 128) * 128, rrem)])

    @pl.when(sid == 0)
    def _():
        pltpu.sync_copy(acc.at[pl.ds(NS * RPT, REM_ROWS)],
                        out_hbm.at[cid, pl.ds(NS * RPT, REM_ROWS)])



_BR = 2000


def _dinv_block(degt_ref):
    deg = degt_ref[:, 0:1] + degt_ref[:, 1:2] + 1.0
    return lax.rsqrt(deg)


def _prescale1_body(degt_ref, x_ref, w_ref, y_ref):
    xw = jnp.dot(x_ref[...], w_ref[...], preferred_element_type=jnp.float32)
    y_ref[...] = xw * _dinv_block(degt_ref)


def _layer2_body(degt_ref, acc_ref, y_ref, b_ref, w_ref, out_ref):
    dinv = _dinv_block(degt_ref)
    s = acc_ref[0] + acc_ref[1] + y_ref[...]
    h = jnp.maximum(dinv * s + b_ref[...], 0.0)
    out_ref[...] = jnp.dot(h, w_ref[...], preferred_element_type=jnp.float32) * dinv


def _final_body(degt_ref, acc_ref, y_ref, b_ref, wd_ref, bd_ref, out_ref):
    dinv = _dinv_block(degt_ref)
    s = acc_ref[0] + acc_ref[1] + y_ref[...]
    h = jnp.maximum(dinv * s + b_ref[...], 0.0)
    logits = jnp.dot(h, wd_ref[...], preferred_element_type=jnp.float32) + bd_ref[...]
    m = jnp.max(logits, axis=1, keepdims=True)
    ex = jnp.exp(logits - m)
    out_ref[...] = ex / jnp.sum(ex, axis=1, keepdims=True)


def _row_spec(d):
    return pl.BlockSpec((_BR, d), lambda i: (i, 0))


def _full_spec(shape):
    return pl.BlockSpec(shape, lambda i: tuple(0 for _ in shape))


def kernel(x, edge_index, W1, b1, W2, b2, Wd, bd):
    ei = edge_index.astype(jnp.int32)
    src, dst = ei[0], ei[1]

    degp = _deg_sc(dst)
    degt = degp.T

    y1 = pl.pallas_call(
        _prescale1_body,
        grid=(N // _BR,),
        in_specs=[_row_spec(2), _row_spec(D), _full_spec((D, D))],
        out_specs=_row_spec(D),
        out_shape=jax.ShapeDtypeStruct((N, D), jnp.float32),
    )(degt, x, W1)

    acc1 = _msg_sc(y1, src, dst)

    y2 = pl.pallas_call(
        _layer2_body,
        grid=(N // _BR,),
        in_specs=[_row_spec(2),
                  pl.BlockSpec((2, _BR, D), lambda i: (0, i, 0)),
                  _row_spec(D), _full_spec((1, D)), _full_spec((D, D))],
        out_specs=_row_spec(D),
        out_shape=jax.ShapeDtypeStruct((N, D), jnp.float32),
    )(degt, acc1, y1, b1.reshape(1, D), W2)

    acc2 = _msg_sc(y2, src, dst)

    out = pl.pallas_call(
        _final_body,
        grid=(N // _BR,),
        in_specs=[_row_spec(2),
                  pl.BlockSpec((2, _BR, D), lambda i: (0, i, 0)),
                  _row_spec(D), _full_spec((1, D)), _full_spec((D, N_CLS)),
                  _full_spec((1, N_CLS))],
        out_specs=_row_spec(N_CLS),
        out_shape=jax.ShapeDtypeStruct((N, N_CLS), jnp.float32),
    )(degt, acc2, y2, b2.reshape(1, D), Wd, bd.reshape(1, N_CLS))

    return out

# --- scband reference (transcript-rebuilt; emitter-appended) ---
"""Pipeline reference for scband-gnn-6047313952840 (READ-ONLY COPY).

The authoritative reference and input builder live on the scoring server;
editing this copy changes nothing except your own understanding.
"""

import jax, jax.numpy as jnp
import numpy as np

N = 10000
E = 320000
D_IN = 128
D_HID = 128
N_CLS = 16


def setup_inputs(seed: int = 0) -> dict:
    key = jax.random.key(seed)
    ks = jax.random.split(key, 8)
    x = jax.random.normal(ks[0], (N, D_IN), dtype=jnp.float32)
    edge_index = jax.random.randint(ks[1], (2, E), 0, N).astype(jnp.int64)
    s1 = 1.0 / np.sqrt(D_IN)
    s2 = 1.0 / np.sqrt(D_HID)
    W1 = jax.random.normal(ks[2], (D_IN, D_HID), dtype=jnp.float32) * s1
    b1 = jnp.zeros((D_HID,), dtype=jnp.float32)
    W2 = jax.random.normal(ks[3], (D_HID, D_HID), dtype=jnp.float32) * s2
    b2 = jnp.zeros((D_HID,), dtype=jnp.float32)
    Wd = jax.random.normal(ks[4], (D_HID, N_CLS), dtype=jnp.float32) * s2
    bd = jnp.zeros((N_CLS,), dtype=jnp.float32)
    return {"x": x, "edge_index": edge_index, "W1": W1, "b1": b1, "W2": W2, "b2": b2, "Wd": Wd, "bd": bd}


def gcn_conv(x, edge_index, W, b):
    # GCNConv: add self-loops, symmetric normalization D^-1/2 A D^-1/2, then linear + bias
    n = x.shape[0]
    loop = jnp.arange(n, dtype=edge_index.dtype)
    src = jnp.concatenate([edge_index[0], loop])
    dst = jnp.concatenate([edge_index[1], loop])
    deg = jnp.zeros((n,), dtype=x.dtype).at[dst].add(1.0)
    dinv = jnp.where(deg > 0, jax.lax.rsqrt(deg), 0.0)
    norm = dinv[src] * dinv[dst]
    xw = x @ W
    msg = xw[src] * norm[:, None]
    out = jnp.zeros((n, W.shape[1]), dtype=x.dtype).at[dst].add(msg)
    return out + b


def reference(x, edge_index, W1, b1, W2, b2, Wd, bd):
    h = jax.nn.relu(gcn_conv(x, edge_index, W1, b1))
    # dropout(p=0.2) is identity in eval mode
    h = jax.nn.relu(gcn_conv(h, edge_index, W2, b2))
    logits = h @ Wd + bd
    return jax.nn.softmax(logits, axis=1)

if __name__ == "__main__":
    import jax
    _d = setup_inputs()
    print(jax.jit(kernel)(*tuple(_d.values())))

</pallas_src>

<mosaic_0001>
#map = affine_map<(d0, d1) -> (0, 0)>
#map1 = affine_map<(d0, d1) -> (0)>
#map2 = affine_map<(d0, d1) -> (0, 0, 0)>
module attributes {stable_mosaic.version = 14 : i64} {
  func.func @_msg_sc(%arg0: i32, %arg1: i32, %arg2: memref<10000x128xf32, #tpu.memory_space<hbm>>, %arg3: memref<320000xi32, #tpu.memory_space<hbm>>, %arg4: memref<320000xi32, #tpu.memory_space<hbm>>, %arg5: memref<2x10000x128xf32, #tpu.memory_space<hbm>>, %arg6: memref<1x80xi32, #tpu.memory_space<vmem>>, %arg7: memref<1x80xi32, #tpu.memory_space<vmem>>, %arg8: memref<80x128xf32, #tpu.memory_space<vmem>>, %arg9: memref<128x128xf32, #tpu.memory_space<vmem>>, %arg10: memref<10000x128xf32, #tpu.memory_space<vmem_shared>>, %arg11: memref<!tpu.dma_semaphore, #tpu.memory_space<semaphore_mem>>) attributes {dimension_semantics = [#tpu.dimension_semantics<core_parallel>, #tpu.dimension_semantics<subcore_parallel>], iteration_bounds = array<i64: 2, 16>, scalar_prefetch = 0 : i64, scratch_operands = 6 : i64, tpu.core_type = #tpu.core_type<sc_vector_subcore>, window_params = [{transform_indices = #map}, {transform_indices = #map1}, {transform_indices = #map1}, {transform_indices = #map2}]} {
    %mul3A = arith.constant 2 : i32
    %mul3A_0 = arith.muli %arg1, %mul3A : i32
    %add3A = arith.addi %mul3A_0, %arg0 : i32
    %scan3A = arith.constant 0 : i32
    %scan3A_1 = arith.constant 0 : i32
    %scan3A_2 = arith.constant 128 : i32
    %scan3A_3 = arith.addi %scan3A_1, %scan3A_2 : i32
    %scan3A_4 = arith.constant 1 : i32
    %scan3A_5 = scf.for %scan3A_56 = %scan3A_1 to %scan3A_3 step %scan3A_4 iter_args(%scan3A_57 = %scan3A) -> (i32)  : i32 {
      %broadcast_in_dim3A = arith.constant 0.000000e+00 : f32
      %broadcast_in_dim3A_58 = vector.broadcast %broadcast_in_dim3A : f32 to vector<16xf32>
      %swap3A = arith.index_cast %scan3A_56 : i32 to index
      %swap3A_59 = arith.constant 0 : index
      %swap3A_60 = tpu.vector_load %arg9[%swap3A, %swap3A_59] {strides = array<i32>} : memref<128x128xf32, #tpu.memory_space<vmem>>, vector<1x16xf32>,
      %swap3A_61 = vector.shape_cast %swap3A_60 : vector<1x16xf32> to vector<16xf32>
      %swap3A_62 = vector.shape_cast %broadcast_in_dim3A_58 : vector<16xf32> to vector<1x16xf32>
      tpu.vector_store %arg9[%swap3A, %swap3A_59], %swap3A_62 {strides = array<i32>} : memref<128x128xf32, #tpu.memory_space<vmem>>, vector<1x16xf32>,
      %broadcast_in_dim3A_63 = arith.constant 0.000000e+00 : f32
      %broadcast_in_dim3A_64 = vector.broadcast %broadcast_in_dim3A_63 : f32 to vector<16xf32>
      %swap3A_65 = arith.index_cast %scan3A_56 : i32 to index
      %swap3A_66 = arith.constant 16 : index
      %swap3A_67 = tpu.vector_load %arg9[%swap3A_65, %swap3A_66] {strides = array<i32>} : memref<128x128xf32, #tpu.memory_space<vmem>>, vector<1x16xf32>,
      %swap3A_68 = vector.shape_cast %swap3A_67 : vector<1x16xf32> to vector<16xf32>
      %swap3A_69 = vector.shape_cast %broadcast_in_dim3A_64 : vector<16xf32> to vector<1x16xf32>
      tpu.vector_store %arg9[%swap3A_65, %swap3A_66], %swap3A_69 {strides = array<i32>} : memref<128x128xf32, #tpu.memory_space<vmem>>, vector<1x16xf32>,
      %broadcast_in_dim3A_70 = arith.constant 0.000000e+00 : f32
      %broadcast_in_dim3A_71 = vector.broadcast %broadcast_in_dim3A_70 : f32 to vector<16xf32>
      %swap3A_72 = arith.index_cast %scan3A_56 : i32 to index
      %swap3A_73 = arith.constant 32 : index
      %swap3A_74 = tpu.vector_load %arg9[%swap3A_72, %swap3A_73] {strides = array<i32>} : memref<128x128xf32, #tpu.memory_space<vmem>>, vector<1x16xf32>,
      %swap3A_75 = vector.shape_cast %swap3A_74 : vector<1x16xf32> to vector<16xf32>
      %swap3A_76 = vector.shape_cast %broadcast_in_dim3A_71 : vector<16xf32> to vector<1x16xf32>
      tpu.vector_store %arg9[%swap3A_72, %swap3A_73], %swap3A_76 {strides = array<i32>} : memref<128x128xf32, #tpu.memory_space<vmem>>, vector<1x16xf32>,
      %broadcast_in_dim3A_77 = arith.constant 0.000000e+00 : f32
      %broadcast_in_dim3A_78 = vector.broadcast %broadcast_in_dim3A_77 : f32 to vector<16xf32>
      %swap3A_79 = arith.index_cast %scan3A_56 : i32 to index
      %swap3A_80 = arith.constant 48 : index
      %swap3A_81 = tpu.vector_load %arg9[%swap3A_79, %swap3A_80] {strides = array<i32>} : memref<128x128xf32, #tpu.memory_space<vmem>>, vector<1x16xf32>,
      %swap3A_82 = vector.shape_cast %swap3A_81 : vector<1x16xf32> to vector<16xf32>
      %swap3A_83 = vector.shape_cast %broadcast_in_dim3A_78 : vector<16xf32> to vector<1x16xf32>
      tpu.vector_store %arg9[%swap3A_79, %swap3A_80], %swap3A_83 {strides = array<i32>} : memref<128x128xf32, #tpu.memory_space<vmem>>, vector<1x16xf32>,
      %broadcast_in_dim3A_84 = arith.constant 0.000000e+00 : f32
      %broadcast_in_dim3A_85 = vector.broadcast %broadcast_in_dim3A_84 : f32 to vector<16xf32>
      %swap3A_86 = arith.index_cast %scan3A_56 : i32 to index
      %swap3A_87 = arith.constant 64 : index
      %swap3A_88 = tpu.vector_load %arg9[%swap3A_86, %swap3A_87] {strides = array<i32>} : memref<128x128xf32, #tpu.memory_space<vmem>>, vector<1x16xf32>,
      %swap3A_89 = vector.shape_cast %swap3A_88 : vector<1x16xf32> to vector<16xf32>
      %swap3A_90 = vector.shape_cast %broadcast_in_dim3A_85 : vector<16xf32> to vector<1x16xf32>
      tpu.vector_store %arg9[%swap3A_86, %swap3A_87], %swap3A_90 {strides = array<i32>} : memref<128x128xf32, #tpu.memory_space<vmem>>, vector<1x16xf32>,
      %broadcast_in_dim3A_91 = arith.constant 0.000000e+00 : f32
      %broadcast_in_dim3A_92 = vector.broadcast %broadcast_in_dim3A_91 : f32 to vector<16xf32>
      %swap3A_93 = arith.index_cast %scan3A_56 : i32 to index
      %swap3A_94 = arith.constant 80 : index
      %swap3A_95 = tpu.vector_load %arg9[%swap3A_93, %swap3A_94] {strides = array<i32>} : memref<128x128xf32, #tpu.memory_space<vmem>>, vector<1x16xf32>,
      %swap3A_96 = vector.shape_cast %swap3A_95 : vector<1x16xf32> to vector<16xf32>
      %swap3A_97 = vector.shape_cast %broadcast_in_dim3A_92 : vector<16xf32> to vector<1x16xf32>
      tpu.vector_store %arg9[%swap3A_93, %swap3A_94], %swap3A_97 {strides = array<i32>} : memref<128x128xf32, #tpu.memory_space<vmem>>, vector<1x16xf32>,
      %broadcast_in_dim3A_98 = arith.constant 0.000000e+00 : f32
      %broadcast_in_dim3A_99 = vector.broadcast %broadcast_in_dim3A_98 : f32 to vector<16xf32>
      %swap3A_100 = arith.index_cast %scan3A_56 : i32 to index
      %swap3A_101 = arith.constant 96 : index
      %swap3A_102 = tpu.vector_load %arg9[%swap3A_100, %swap3A_101] {strides = array<i32>} : memref<128x128xf32, #tpu.memory_space<vmem>>, vector<1x16xf32>,
      %swap3A_103 = vector.shape_cast %swap3A_102 : vector<1x16xf32> to vector<16xf32>
      %swap3A_104 = vector.shape_cast %broadcast_in_dim3A_99 : vector<16xf32> to vector<1x16xf32>
      tpu.vector_store %arg9[%swap3A_100, %swap3A_101], %swap3A_104 {strides = array<i32>} : memref<128x128xf32, #tpu.memory_space<vmem>>, vector<1x16xf32>,
      %broadcast_in_dim3A_105 = arith.constant 0.000000e+00 : f32
      %broadcast_in_dim3A_106 = vector.broadcast %broadcast_in_dim3A_105 : f32 to vector<16xf32>
      %swap3A_107 = arith.index_cast %scan3A_56 : i32 to index
      %swap3A_108 = arith.constant 112 : index
      %swap3A_109 = tpu.vector_load %arg9[%swap3A_107, %swap3A_108] {strides = array<i32>} : memref<128x128xf32, #tpu.memory_space<vmem>>, vector<1x16xf32>,
      %swap3A_110 = vector.shape_cast %swap3A_109 : vector<1x16xf32> to vector<16xf32>
      %swap3A_111 = vector.shape_cast %broadcast_in_dim3A_106 : vector<16xf32> to vector<1x16xf32>
      tpu.vector_store %arg9[%swap3A_107, %swap3A_108], %swap3A_111 {strides = array<i32>} : memref<128x128xf32, #tpu.memory_space<vmem>>, vector<1x16xf32>,
      %scan3A_112 = arith.constant 0 : i32
      scf.yield %scan3A_112 : i32
    }
    %scan3A_6 = arith.constant 128 : i32
    %mul3A_7 = arith.constant 624 : i32
    %mul3A_8 = arith.muli %arg1, %mul3A_7 : i32
    %multiple_of3A = tpu.assume_multiple %mul3A_8, 8 : i32
    %add3A_9 = arith.constant 0 : i32
    %add3A_10 = arith.addi %multiple_of3A, %add3A_9 : i32
    "tpu.region"() ({
      %run_scoped3A = tpu.sem_alloc : memref<!tpu.dma_semaphore, #tpu.memory_space<semaphore_mem>>
      %dma_start3A = arith.constant 0 : i32
      %dma_start3A_56 = tpu.memref_slice %arg10[%add3A_10, %dma_start3A] : memref<10000x128xf32, #tpu.memory_space<vmem_shared>> -> memref<128x128xf32, #tpu.memory_space<vmem_shared>>
      %dma_start3A_57 = arith.constant 0 : i32
      %dma_start3A_58 = tpu.memref_slice %arg10[%add3A_10, %dma_start3A_57] : memref<10000x128xf32, #tpu.memory_space<vmem_shared>> -> memref<128x128xf32, #tpu.memory_space<vmem_shared>>
      tpu.enqueue_dma source(%arg9 : memref<128x128xf32, #tpu.memory_space<vmem>>) target(%dma_start3A_58 : memref<128x128xf32, #tpu.memory_space<vmem_shared>>) target_semaphore(%run_scoped3A : memref<!tpu.dma_semaphore, #tpu.memory_space<semaphore_mem>>)
      %dma_wait3A = arith.constant 0 : i32
      %dma_wait3A_59 = tpu.memref_slice %arg10[%add3A_10, %dma_wait3A] : memref<10000x128xf32, #tpu.memory_space<vmem_shared>> -> memref<128x128xf32, #tpu.memory_space<vmem_shared>>
      %dma_wait3A_60 = arith.constant 0 : i32
      %dma_wait3A_61 = tpu.memref_slice %arg10[%add3A_10, %dma_wait3A_60] : memref<10000x128xf32, #tpu.memory_space<vmem_shared>> -> memref<128x128xf32, #tpu.memory_space<vmem_shared>>
      tpu.wait_dma2 semaphore(%run_scoped3A : memref<!tpu.dma_semaphore, #tpu.memory_space<semaphore_mem>>) src(%arg9 : memref<128x128xf32, #tpu.memory_space<vmem>>) dst(%dma_wait3A_61 : memref<128x128xf32, #tpu.memory_space<vmem_shared>>)
      tpu.yield
    }) : () -> ()
    %add3A_11 = arith.constant 128 : i32
    %add3A_12 = arith.addi %multiple_of3A, %add3A_11 : i32
    "tpu.region"() ({
      %run_scoped3A = tpu.sem_alloc : memref<!tpu.dma_semaphore, #tpu.memory_space<semaphore_mem>>
      %dma_start3A = arith.constant 0 : i32
      %dma_start3A_56 = tpu.memref_slice %arg10[%add3A_12, %dma_start3A] : memref<10000x128xf32, #tpu.memory_space<vmem_shared>> -> memref<128x128xf32, #tpu.memory_space<vmem_shared>>
      %dma_start3A_57 = arith.constant 0 : i32
      %dma_start3A_58 = tpu.memref_slice %arg10[%add3A_12, %dma_start3A_57] : memref<10000x128xf32, #tpu.memory_space<vmem_shared>> -> memref<128x128xf32, #tpu.memory_space<vmem_shared>>
      tpu.enqueue_dma source(%arg9 : memref<128x128xf32, #tpu.memory_space<vmem>>) target(%dma_start3A_58 : memref<128x128xf32, #tpu.memory_space<vmem_shared>>) target_semaphore(%run_scoped3A : memref<!tpu.dma_semaphore, #tpu.memory_space<semaphore_mem>>)
      %dma_wait3A = arith.constant 0 : i32
      %dma_wait3A_59 = tpu.memref_slice %arg10[%add3A_12, %dma_wait3A] : memref<10000x128xf32, #tpu.memory_space<vmem_shared>> -> memref<128x128xf32, #tpu.memory_space<vmem_shared>>
      %dma_wait3A_60 = arith.constant 0 : i32
      %dma_wait3A_61 = tpu.memref_slice %arg10[%add3A_12, %dma_wait3A_60] : memref<10000x128xf32, #tpu.memory_space<vmem_shared>> -> memref<128x128xf32, #tpu.memory_space<vmem_shared>>
      tpu.wait_dma2 semaphore(%run_scoped3A : memref<!tpu.dma_semaphore, #tpu.memory_space<semaphore_mem>>) src(%arg9 : memref<128x128xf32, #tpu.memory_space<vmem>>) dst(%dma_wait3A_61 : memref<128x128xf32, #tpu.memory_space<vmem_shared>>)
      tpu.yield
    }) : () -> ()
    %add3A_13 = arith.constant 256 : i32
    %add3A_14 = arith.addi %multiple_of3A, %add3A_13 : i32
    "tpu.region"() ({
      %run_scoped3A = tpu.sem_alloc : memref<!tpu.dma_semaphore, #tpu.memory_space<semaphore_mem>>
      %dma_start3A = arith.constant 0 : i32
      %dma_start3A_56 = tpu.memref_slice %arg10[%add3A_14, %dma_start3A] : memref<10000x128xf32, #tpu.memory_space<vmem_shared>> -> memref<128x128xf32, #tpu.memory_space<vmem_shared>>
      %dma_start3A_57 = arith.constant 0 : i32
      %dma_start3A_58 = tpu.memref_slice %arg10[%add3A_14, %dma_start3A_57] : memref<10000x128xf32, #tpu.memory_space<vmem_shared>> -> memref<128x128xf32, #tpu.memory_space<vmem_shared>>
      tpu.enqueue_dma source(%arg9 : memref<128x128xf32, #tpu.memory_space<vmem>>) target(%dma_start3A_58 : memref<128x128xf32, #tpu.memory_space<vmem_shared>>) target_semaphore(%run_scoped3A : memref<!tpu.dma_semaphore, #tpu.memory_space<semaphore_mem>>)
      %dma_wait3A = arith.constant 0 : i32
      %dma_wait3A_59 = tpu.memref_slice %arg10[%add3A_14, %dma_wait3A] : memref<10000x128xf32, #tpu.memory_space<vmem_shared>> -> memref<128x128xf32, #tpu.memory_space<vmem_shared>>
      %dma_wait3A_60 = arith.constant 0 : i32
      %dma_wait3A_61 = tpu.memref_slice %arg10[%add3A_14, %dma_wait3A_60] : memref<10000x128xf32, #tpu.memory_space<vmem_shared>> -> memref<128x128xf32, #tpu.memory_space<vmem_shared>>
      tpu.wait_dma2 semaphore(%run_scoped3A : memref<!tpu.dma_semaphore, #tpu.memory_space<semaphore_mem>>) src(%arg9 : memref<128x128xf32, #tpu.memory_space<vmem>>) dst(%dma_wait3A_61 : memref<128x128xf32, #tpu.memory_space<vmem_shared>>)
      tpu.yield
    }) : () -> ()
    %add3A_15 = arith.constant 384 : i32
    %add3A_16 = arith.addi %multiple_of3A, %add3A_15 : i32
    "tpu.region"() ({
      %run_scoped3A = tpu.sem_alloc : memref<!tpu.dma_semaphore, #tpu.memory_space<semaphore_mem>>
      %dma_start3A = arith.constant 0 : i32
      %dma_start3A_56 = tpu.memref_slice %arg10[%add3A_16, %dma_start3A] : memref<10000x128xf32, #tpu.memory_space<vmem_shared>> -> memref<128x128xf32, #tpu.memory_space<vmem_shared>>
      %dma_start3A_57 = arith.constant 0 : i32
      %dma_start3A_58 = tpu.memref_slice %arg10[%add3A_16, %dma_start3A_57] : memref<10000x128xf32, #tpu.memory_space<vmem_shared>> -> memref<128x128xf32, #tpu.memory_space<vmem_shared>>
      tpu.enqueue_dma source(%arg9 : memref<128x128xf32, #tpu.memory_space<vmem>>) target(%dma_start3A_58 : memref<128x128xf32, #tpu.memory_space<vmem_shared>>) target_semaphore(%run_scoped3A : memref<!tpu.dma_semaphore, #tpu.memory_space<semaphore_mem>>)
      %dma_wait3A = arith.constant 0 : i32
      %dma_wait3A_59 = tpu.memref_slice %arg10[%add3A_16, %dma_wait3A] : memref<10000x128xf32, #tpu.memory_space<vmem_shared>> -> memref<128x128xf32, #tpu.memory_space<vmem_shared>>
      %dma_wait3A_60 = arith.constant 0 : i32
      %dma_wait3A_61 = tpu.memref_slice %arg10[%add3A_16, %dma_wait3A_60] : memref<10000x128xf32, #tpu.memory_space<vmem_shared>> -> memref<128x128xf32, #tpu.memory_space<vmem_shared>>
      tpu.wait_dma2 semaphore(%run_scoped3A : memref<!tpu.dma_semaphore, #tpu.memory_space<semaphore_mem>>) src(%arg9 : memref<128x128xf32, #tpu.memory_space<vmem>>) dst(%dma_wait3A_61 : memref<128x128xf32, #tpu.memory_space<vmem_shared>>)
      tpu.yield
    }) : () -> ()
    %add3A_17 = arith.constant 512 : i32
    %add3A_18 = arith.addi %multiple_of3A, %add3A_17 : i32
    "tpu.region"() ({
      %run_scoped3A = tpu.sem_alloc : memref<!tpu.dma_semaphore, #tpu.memory_space<semaphore_mem>>
      %dma_start3A = arith.constant 0 : i32
      %dma_start3A_56 = arith.constant 0 : i32
      %dma_start3A_57 = tpu.memref_slice %arg9[%dma_start3A, %dma_start3A_56] : memref<128x128xf32, #tpu.memory_space<vmem>> -> memref<112x128xf32, #tpu.memory_space<vmem>>
      %dma_start3A_58 = arith.constant 0 : i32
      %dma_start3A_59 = tpu.memref_slice %arg10[%add3A_18, %dma_start3A_58] : memref<10000x128xf32, #tpu.memory_space<vmem_shared>> -> memref<112x128xf32, #tpu.memory_space<vmem_shared>>
      %dma_start3A_60 = arith.constant 0 : i32
      %dma_start3A_61 = tpu.memref_slice %arg10[%add3A_18, %dma_start3A_60] : memref<10000x128xf32, #tpu.memory_space<vmem_shared>> -> memref<112x128xf32, #tpu.memory_space<vmem_shared>>
      %dma_start3A_62 = arith.constant 0 : i32
      %dma_start3A_63 = arith.constant 0 : i32
      %dma_start3A_64 = tpu.memref_slice %arg9[%dma_start3A_62, %dma_start3A_63] : memref<128x128xf32, #tpu.memory_space<vmem>> -> memref<112x128xf32, #tpu.memory_space<vmem>>
      tpu.enqueue_dma source(%dma_start3A_64 : memref<112x128xf32, #tpu.memory_space<vmem>>) target(%dma_start3A_61 : memref<112x128xf32, #tpu.memory_space<vmem_shared>>) target_semaphore(%run_scoped3A : memref<!tpu.dma_semaphore, #tpu.memory_space<semaphore_mem>>)
      %dma_wait3A = arith.constant 0 : i32
      %dma_wait3A_65 = arith.constant 0 : i32
      %dma_wait3A_66 = tpu.memref_slice %arg9[%dma_wait3A, %dma_wait3A_65] : memref<128x128xf32, #tpu.memory_space<vmem>> -> memref<112x128xf32, #tpu.memory_space<vmem>>
      %dma_wait3A_67 = arith.constant 0 : i32
      %dma_wait3A_68 = tpu.memref_slice %arg10[%add3A_18, %dma_wait3A_67] : memref<10000x128xf32, #tpu.memory_space<vmem_shared>> -> memref<112x128xf32, #tpu.memory_space<vmem_shared>>
      %dma_wait3A_69 = arith.constant 0 : i32
      %dma_wait3A_70 = tpu.memref_slice %arg10[%add3A_18, %dma_wait3A_69] : memref<10000x128xf32, #tpu.memory_space<vmem_shared>> -> memref<112x128xf32, #tpu.memory_space<vmem_shared>>
      %dma_wait3A_71 = arith.constant 0 : i32
      %dma_wait3A_72 = arith.constant 0 : i32
      %dma_wait3A_73 = tpu.memref_slice %arg9[%dma_wait3A_71, %dma_wait3A_72] : memref<128x128xf32, #tpu.memory_space<vmem>> -> memref<112x128xf32, #tpu.memory_space<vmem>>
      tpu.wait_dma2 semaphore(%run_scoped3A : memref<!tpu.dma_semaphore, #tpu.memory_space<semaphore_mem>>) src(%dma_wait3A_73 : memref<112x128xf32, #tpu.memory_space<vmem>>) dst(%dma_wait3A_70 : memref<112x128xf32, #tpu.memory_space<vmem_shared>>)
      tpu.yield
    }) : () -> ()
    %eq3A = arith.constant 0 : i32
    %eq3A_19 = arith.cmpi eq, %arg1, %eq3A : i32
    %convert_element_type3A = arith.extui %eq3A_19 : i1 to i32
    %cond3A = arith.constant 0 : i32
    %cond3A_20 = arith.cmpi ne, %convert_element_type3A, %cond3A : i32
    scf.if %cond3A_20 {
      "tpu.region"() ({
        %run_scoped3A = tpu.sem_alloc : memref<!tpu.dma_semaphore, #tpu.memory_space<semaphore_mem>>
        %dma_start3A = arith.constant 0 : i32
        %dma_start3A_56 = arith.constant 0 : i32
        %dma_start3A_57 = tpu.memref_slice %arg9[%dma_start3A, %dma_start3A_56] : memref<128x128xf32, #tpu.memory_space<vmem>> -> memref<16x128xf32, #tpu.memory_space<vmem>>
        %dma_start3A_58 = arith.constant 9984 : i32
        %dma_start3A_59 = arith.constant 0 : i32
        %dma_start3A_60 = tpu.memref_slice %arg10[%dma_start3A_58, %dma_start3A_59] : memref<10000x128xf32, #tpu.memory_space<vmem_shared>> -> memref<16x128xf32, #tpu.memory_space<vmem_shared>>
        %dma_start3A_61 = arith.constant 9984 : i32
        %dma_start3A_62 = arith.constant 0 : i32
        %dma_start3A_63 = tpu.memref_slice %arg10[%dma_start3A_61, %dma_start3A_62] : memref<10000x128xf32, #tpu.memory_space<vmem_shared>> -> memref<16x128xf32, #tpu.memory_space<vmem_shared>>
        %dma_start3A_64 = arith.constant 0 : i32
        %dma_start3A_65 = arith.constant 0 : i32
        %dma_start3A_66 = tpu.memref_slice %arg9[%dma_start3A_64, %dma_start3A_65] : memref<128x128xf32, #tpu.memory_space<vmem>> -> memref<16x128xf32, #tpu.memory_space<vmem>>
        tpu.enqueue_dma source(%dma_start3A_66 : memref<16x128xf32, #tpu.memory_space<vmem>>) target(%dma_start3A_63 : memref<16x128xf32, #tpu.memory_space<vmem_shared>>) target_semaphore(%run_scoped3A : memref<!tpu.dma_semaphore, #tpu.memory_space<semaphore_mem>>)
        %dma_wait3A = arith.constant 0 : i32
        %dma_wait3A_67 = arith.constant 0 : i32
        %dma_wait3A_68 = tpu.memref_slice %arg9[%dma_wait3A, %dma_wait3A_67] : memref<128x128xf32, #tpu.memory_space<vmem>> -> memref<16x128xf32, #tpu.memory_space<vmem>>
        %dma_wait3A_69 = arith.constant 9984 : i32
        %dma_wait3A_70 = arith.constant 0 : i32
        %dma_wait3A_71 = tpu.memref_slice %arg10[%dma_wait3A_69, %dma_wait3A_70] : memref<10000x128xf32, #tpu.memory_space<vmem_shared>> -> memref<16x128xf32, #tpu.memory_space<vmem_shared>>
        %dma_wait3A_72 = arith.constant 9984 : i32
        %dma_wait3A_73 = arith.constant 0 : i32
        %dma_wait3A_74 = tpu.memref_slice %arg10[%dma_wait3A_72, %dma_wait3A_73] : memref<10000x128xf32, #tpu.memory_space<vmem_shared>> -> memref<16x128xf32, #tpu.memory_space<vmem_shared>>
        %dma_wait3A_75 = arith.constant 0 : i32
        %dma_wait3A_76 = arith.constant 0 : i32
        %dma_wait3A_77 = tpu.memref_slice %arg9[%dma_wait3A_75, %dma_wait3A_76] : memref<128x128xf32, #tpu.memory_space<vmem>> -> memref<16x128xf32, #tpu.memory_space<vmem>>
        tpu.wait_dma2 semaphore(%run_scoped3A : memref<!tpu.dma_semaphore, #tpu.memory_space<semaphore_mem>>) src(%dma_wait3A_77 : memref<16x128xf32, #tpu.memory_space<vmem>>) dst(%dma_wait3A_74 : memref<16x128xf32, #tpu.memory_space<vmem_shared>>)
        tpu.yield
      }) : () -> ()
    } else {
    }
    %barrier3A = arith.constant 0 : index
    tpu.barrier barrier_id(%barrier3A)
    %mul3A_21 = arith.constant 10000 : i32
    %mul3A_22 = arith.muli %add3A, %mul3A_21 : i32
    %scan3A_23 = arith.constant 0 : i32
    %scan3A_24 = arith.constant 0 : i32
    %scan3A_25 = arith.constant 125 : i32
    %scan3A_26 = arith.addi %scan3A_24, %scan3A_25 : i32
    %scan3A_27 = arith.constant 1 : i32
    %scan3A_28 = scf.for %scan3A_56 = %scan3A_24 to %scan3A_26 step %scan3A_27 iter_args(%scan3A_57 = %scan3A_23) -> (i32)  : i32 {
      %mul3A_58 = arith.constant 80 : i32
      %mul3A_59 = arith.muli %scan3A_56, %mul3A_58 : i32
      %add3A_60 = arith.addi %mul3A_22, %mul3A_59 : i32
      %run_scoped3A = arith.constant 0 : i32
      "tpu.region"() ({
        %run_scoped3A_76 = tpu.sem_alloc : memref<!tpu.dma_semaphore, #tpu.memory_space<semaphore_mem>>
        %dma_start3A_77 = arith.constant 0 : i32
        %dma_start3A_78 = tpu.memref_slice %arg6[%run_scoped3A, %dma_start3A_77] : memref<1x80xi32, #tpu.memory_space<vmem>> -> memref<1x80xi32, #tpu.memory_space<vmem>>
        %dma_start3A_79 = tpu.memref_squeeze %dma_start3A_78 : memref<1x80xi32, #tpu.memory_space<vmem>> -> memref<80xi32, #tpu.memory_space<vmem>>
        %dma_start3A_80 = tpu.memref_slice %arg3[%add3A_60] : memref<320000xi32, #tpu.memory_space<hbm>> -> memref<80xi32, #tpu.memory_space<hbm>>
        %dma_start3A_81 = arith.constant 0 : i32
        %dma_start3A_82 = tpu.memref_slice %arg6[%run_scoped3A, %dma_start3A_81] : memref<1x80xi32, #tpu.memory_space<vmem>> -> memref<1x80xi32, #tpu.memory_space<vmem>>
        %dma_start3A_83 = tpu.memref_squeeze %dma_start3A_82 : memref<1x80xi32, #tpu.memory_space<vmem>> -> memref<80xi32, #tpu.memory_space<vmem>>
        %dma_start3A_84 = tpu.memref_slice %arg3[%add3A_60] : memref<320000xi32, #tpu.memory_space<hbm>> -> memref<80xi32, #tpu.memory_space<hbm>>
        tpu.enqueue_dma source(%dma_start3A_84 : memref<80xi32, #tpu.memory_space<hbm>>) target(%dma_start3A_83 : memref<80xi32, #tpu.memory_space<vmem>>) target_semaphore(%run_scoped3A_76 : memref<!tpu.dma_semaphore, #tpu.memory_space<semaphore_mem>>)
        %dma_wait3A_85 = arith.constant 0 : i32
        %dma_wait3A_86 = tpu.memref_slice %arg6[%run_scoped3A, %dma_wait3A_85] : memref<1x80xi32, #tpu.memory_space<vmem>> -> memref<1x80xi32, #tpu.memory_space<vmem>>
        %dma_wait3A_87 = tpu.memref_squeeze %dma_wait3A_86 : memref<1x80xi32, #tpu.memory_space<vmem>> -> memref<80xi32, #tpu.memory_space<vmem>>
        %dma_wait3A_88 = tpu.memref_slice %arg3[%add3A_60] : memref<320000xi32, #tpu.memory_space<hbm>> -> memref<80xi32, #tpu.memory_space<hbm>>
        %dma_wait3A_89 = arith.constant 0 : i32
        %dma_wait3A_90 = tpu.memref_slice %arg6[%run_scoped3A, %dma_wait3A_89] : memref<1x80xi32, #tpu.memory_space<vmem>> -> memref<1x80xi32, #tpu.memory_space<vmem>>
        %dma_wait3A_91 = tpu.memref_squeeze %dma_wait3A_90 : memref<1x80xi32, #tpu.memory_space<vmem>> -> memref<80xi32, #tpu.memory_space<vmem>>
        %dma_wait3A_92 = tpu.memref_slice %arg3[%add3A_60] : memref<320000xi32, #tpu.memory_space<hbm>> -> memref<80xi32, #tpu.memory_space<hbm>>
        tpu.wait_dma2 semaphore(%run_scoped3A_76 : memref<!tpu.dma_semaphore, #tpu.memory_space<semaphore_mem>>) src(%dma_wait3A_92 : memref<80xi32, #tpu.memory_space<hbm>>) dst(%dma_wait3A_91 : memref<80xi32, #tpu.memory_space<vmem>>)
        tpu.yield
      }) : () -> ()
      %run_scoped3A_61 = arith.constant 0 : i32
      "tpu.region"() ({
        %run_scoped3A_76 = tpu.sem_alloc : memref<!tpu.dma_semaphore, #tpu.memory_space<semaphore_mem>>
        %dma_start3A_77 = arith.constant 0 : i32
        %dma_start3A_78 = tpu.memref_slice %arg7[%run_scoped3A_61, %dma_start3A_77] : memref<1x80xi32, #tpu.memory_space<vmem>> -> memref<1x80xi32, #tpu.memory_space<vmem>>
        %dma_start3A_79 = tpu.memref_squeeze %dma_start3A_78 : memref<1x80xi32, #tpu.memory_space<vmem>> -> memref<80xi32, #tpu.memory_space<vmem>>
        %dma_start3A_80 = tpu.memref_slice %arg4[%add3A_60] : memref<320000xi32, #tpu.memory_space<hbm>> -> memref<80xi32, #tpu.memory_space<hbm>>
        %dma_start3A_81 = arith.constant 0 : i32
        %dma_start3A_82 = tpu.memref_slice %arg7[%run_scoped3A_61, %dma_start3A_81] : memref<1x80xi32, #tpu.memory_space<vmem>> -> memref<1x80xi32, #tpu.memory_space<vmem>>
        %dma_start3A_83 = tpu.memref_squeeze %dma_start3A_82 : memref<1x80xi32, #tpu.memory_space<vmem>> -> memref<80xi32, #tpu.memory_space<vmem>>
        %dma_start3A_84 = tpu.memref_slice %arg4[%add3A_60] : memref<320000xi32, #tpu.memory_space<hbm>> -> memref<80xi32, #tpu.memory_space<hbm>>
        tpu.enqueue_dma source(%dma_start3A_84 : memref<80xi32, #tpu.memory_space<hbm>>) target(%dma_start3A_83 : memref<80xi32, #tpu.memory_space<vmem>>) target_semaphore(%run_scoped3A_76 : memref<!tpu.dma_semaphore, #tpu.memory_space<semaphore_mem>>)
        %dma_wait3A_85 = arith.constant 0 : i32
        %dma_wait3A_86 = tpu.memref_slice %arg7[%run_scoped3A_61, %dma_wait3A_85] : memref<1x80xi32, #tpu.memory_space<vmem>> -> memref<1x80xi32, #tpu.memory_space<vmem>>
        %dma_wait3A_87 = tpu.memref_squeeze %dma_wait3A_86 : memref<1x80xi32, #tpu.memory_space<vmem>> -> memref<80xi32, #tpu.memory_space<vmem>>
        %dma_wait3A_88 = tpu.memref_slice %arg4[%add3A_60] : memref<320000xi32, #tpu.memory_space<hbm>> -> memref<80xi32, #tpu.memory_space<hbm>>
        %dma_wait3A_89 = arith.constant 0 : i32
        %dma_wait3A_90 = tpu.memref_slice %arg7[%run_scoped3A_61, %dma_wait3A_89] : memref<1x80xi32, #tpu.memory_space<vmem>> -> memref<1x80xi32, #tpu.memory_space<vmem>>
        %dma_wait3A_91 = tpu.memref_squeeze %dma_wait3A_90 : memref<1x80xi32, #tpu.memory_space<vmem>> -> memref<80xi32, #tpu.memory_space<vmem>>
        %dma_wait3A_92 = tpu.memref_slice %arg4[%add3A_60] : memref<320000xi32, #tpu.memory_space<hbm>> -> memref<80xi32, #tpu.memory_space<hbm>>
        tpu.wait_dma2 semaphore(%run_scoped3A_76 : memref<!tpu.dma_semaphore, #tpu.memory_space<semaphore_mem>>) src(%dma_wait3A_92 : memref<80xi32, #tpu.memory_space<hbm>>) dst(%dma_wait3A_91 : memref<80xi32, #tpu.memory_space<vmem>>)
        tpu.yield
      }) : () -> ()
      %dma_start3A = arith.constant 0 : i32
      %dma_start3A_62 = arith.constant 0 : i32
      %dma_start3A_63 = tpu.memref_slice %arg6[%dma_start3A, %dma_start3A_62] : memref<1x80xi32, #tpu.memory_space<vmem>> -> memref<1x80xi32, #tpu.memory_space<vmem>>
      %dma_start3A_64 = tpu.memref_squeeze %dma_start3A_63 : memref<1x80xi32, #tpu.memory_space<vmem>> -> memref<80xi32, #tpu.memory_space<vmem>>
      %dma_start3A_65 = arith.constant 0 : i32
      %dma_start3A_66 = arith.constant 0 : i32
      %dma_start3A_67 = tpu.memref_slice %arg2[%dma_start3A_65, %dma_start3A_66] : memref<10000x128xf32, #tpu.memory_space<hbm>> -> memref<10000x128xf32, #tpu.memory_space<hbm>>
      tpu.enqueue_indirect_dma source(%dma_start3A_67 : memref<10000x128xf32, #tpu.memory_space<hbm>>) target(%arg8 : memref<80x128xf32, #tpu.memory_space<vmem>>) offsets(%dma_start3A_64 : memref<80xi32, #tpu.memory_space<vmem>>) semaphore(%arg11 : memref<!tpu.dma_semaphore, #tpu.memory_space<semaphore_mem>>)
      %dma_wait3A = arith.constant 0 : i32
      %dma_wait3A_68 = arith.constant 0 : i32
      %dma_wait3A_69 = tpu.memref_slice %arg6[%dma_wait3A, %dma_wait3A_68] : memref<1x80xi32, #tpu.memory_space<vmem>> -> memref<1x80xi32, #tpu.memory_space<vmem>>
      %dma_wait3A_70 = tpu.memref_squeeze %dma_wait3A_69 : memref<1x80xi32, #tpu.memory_space<vmem>> -> memref<80xi32, #tpu.memory_space<vmem>>
      %dma_wait3A_71 = arith.constant 0 : i32
      %dma_wait3A_72 = arith.constant 0 : i32
      %dma_wait3A_73 = tpu.memref_slice %arg2[%dma_wait3A_71, %dma_wait3A_72] : memref<10000x128xf32, #tpu.memory_space<hbm>> -> memref<10000x128xf32, #tpu.memory_space<hbm>>
      tpu.wait_indirect_dma semaphore(%arg11 : memref<!tpu.dma_semaphore, #tpu.memory_space<semaphore_mem>>) src(%dma_wait3A_73 : memref<10000x128xf32, #tpu.memory_space<hbm>>) dst(%arg8 : memref<80x128xf32, #tpu.memory_space<vmem>>)
      %run_scoped3A_74 = arith.constant 0 : i32
      "tpu.region"() ({
        %run_scoped3A_76 = tpu.sem_alloc : memref<!tpu.dma_semaphore, #tpu.memory_space<semaphore_mem>>
        %dma_start3A_77 = arith.constant 0 : i32
        %dma_start3A_78 = tpu.memref_slice %arg7[%run_scoped3A_74, %dma_start3A_77] : memref<1x80xi32, #tpu.memory_space<vmem>> -> memref<1x80xi32, #tpu.memory_space<vmem>>
        %dma_start3A_79 = tpu.memref_squeeze %dma_start3A_78 : memref<1x80xi32, #tpu.memory_space<vmem>> -> memref<80xi32, #tpu.memory_space<vmem>>
        %dma_start3A_80 = arith.constant 0 : i32
        %dma_start3A_81 = arith.constant 0 : i32
        %dma_start3A_82 = tpu.memref_slice %arg10[%dma_start3A_80, %dma_start3A_81] : memref<10000x128xf32, #tpu.memory_space<vmem_shared>> -> memref<10000x128xf32, #tpu.memory_space<vmem_shared>>
        tpu.enqueue_indirect_dma source(%arg8 : memref<80x128xf32, #tpu.memory_space<vmem>>) target(%dma_start3A_82 : memref<10000x128xf32, #tpu.memory_space<vmem_shared>>) offsets(%dma_start3A_79 : memref<80xi32, #tpu.memory_space<vmem>>) semaphore(%run_scoped3A_76 : memref<!tpu.dma_semaphore, #tpu.memory_space<semaphore_mem>>) {add = true}
        %dma_wait3A_83 = arith.constant 0 : i32
        %dma_wait3A_84 = tpu.memref_slice %arg7[%run_scoped3A_74, %dma_wait3A_83] : memref<1x80xi32, #tpu.memory_space<vmem>> -> memref<1x80xi32, #tpu.memory_space<vmem>>
        %dma_wait3A_85 = tpu.memref_squeeze %dma_wait3A_84 : memref<1x80xi32, #tpu.memory_space<vmem>> -> memref<80xi32, #tpu.memory_space<vmem>>
        %dma_wait3A_86 = arith.constant 0 : i32
        %dma_wait3A_87 = arith.constant 0 : i32
        %dma_wait3A_88 = tpu.memref_slice %arg10[%dma_wait3A_86, %dma_wait3A_87] : memref<10000x128xf32, #tpu.memory_space<vmem_shared>> -> memref<10000x128xf32, #tpu.memory_space<vmem_shared>>
        tpu.wait_indirect_dma semaphore(%run_scoped3A_76 : memref<!tpu.dma_semaphore, #tpu.memory_space<semaphore_mem>>) src(%arg8 : memref<80x128xf32, #tpu.memory_space<vmem>>) dst(%dma_wait3A_88 : memref<10000x128xf32, #tpu.memory_space<vmem_shared>>)
        tpu.yield
      }) : () -> ()
      %scan3A_75 = arith.constant 0 : i32
      scf.yield %scan3A_75 : i32
    }
    %scan3A_29 = arith.constant 125 : i32
    %barrier3A_30 = arith.constant 0 : index
    tpu.barrier barrier_id(%barrier3A_30)
    %add3A_31 = arith.constant 0 : i32
    %add3A_32 = arith.addi %multiple_of3A, %add3A_31 : i32
    %add3A_33 = arith.constant 0 : i32
    %add3A_34 = arith.addi %multiple_of3A, %add3A_33 : i32
    "tpu.region"() ({
      %run_scoped3A = tpu.sem_alloc : memref<!tpu.dma_semaphore, #tpu.memory_space<semaphore_mem>>
      %dma_start3A = arith.constant 0 : i32
      %dma_start3A_56 = tpu.memref_slice %arg5[%arg0, %add3A_34, %dma_start3A] : memref<2x10000x128xf32, #tpu.memory_space<hbm>> -> memref<1x128x128xf32, #tpu.memory_space<hbm>>
      %dma_start3A_57 = tpu.memref_squeeze %dma_start3A_56 : memref<1x128x128xf32, #tpu.memory_space<hbm>> -> memref<128x128xf32, #tpu.memory_space<hbm>>
      %dma_start3A_58 = arith.constant 0 : i32
      %dma_start3A_59 = tpu.memref_slice %arg10[%add3A_32, %dma_start3A_58] : memref<10000x128xf32, #tpu.memory_space<vmem_shared>> -> memref<128x128xf32, #tpu.memory_space<vmem_shared>>
      tpu.enqueue_dma source(%dma_start3A_59 : memref<128x128xf32, #tpu.memory_space<vmem_shared>>) target(%dma_start3A_57 : memref<128x128xf32, #tpu.memory_space<hbm>>) target_semaphore(%run_scoped3A : memref<!tpu.dma_semaphore, #tpu.memory_space<semaphore_mem>>)
      %dma_wait3A = arith.constant 0 : i32
      %dma_wait3A_60 = tpu.memref_slice %arg5[%arg0, %add3A_34, %dma_wait3A] : memref<2x10000x128xf32, #tpu.memory_space<hbm>> -> memref<1x128x128xf32, #tpu.memory_space<hbm>>
      %dma_wait3A_61 = tpu.memref_squeeze %dma_wait3A_60 : memref<1x128x128xf32, #tpu.memory_space<hbm>> -> memref<128x128xf32, #tpu.memory_space<hbm>>
      %dma_wait3A_62 = arith.constant 0 : i32
      %dma_wait3A_63 = tpu.memref_slice %arg10[%add3A_32, %dma_wait3A_62] : memref<10000x128xf32, #tpu.memory_space<vmem_shared>> -> memref<128x128xf32, #tpu.memory_space<vmem_shared>>
      tpu.wait_dma2 semaphore(%run_scoped3A : memref<!tpu.dma_semaphore, #tpu.memory_space<semaphore_mem>>) src(%dma_wait3A_63 : memref<128x128xf32, #tpu.memory_space<vmem_shared>>) dst(%dma_wait3A_61 : memref<128x128xf32, #tpu.memory_space<hbm>>)
      tpu.yield
    }) : () -> ()
    %add3A_35 = arith.constant 128 : i32
    %add3A_36 = arith.addi %multiple_of3A, %add3A_35 : i32
    %add3A_37 = arith.constant 128 : i32
    %add3A_38 = arith.addi %multiple_of3A, %add3A_37 : i32
    "tpu.region"() ({
      %run_scoped3A = tpu.sem_alloc : memref<!tpu.dma_semaphore, #tpu.memory_space<semaphore_mem>>
      %dma_start3A = arith.constant 0 : i32
      %dma_start3A_56 = tpu.memref_slice %arg5[%arg0, %add3A_38, %dma_start3A] : memref<2x10000x128xf32, #tpu.memory_space<hbm>> -> memref<1x128x128xf32, #tpu.memory_space<hbm>>
      %dma_start3A_57 = tpu.memref_squeeze %dma_start3A_56 : memref<1x128x128xf32, #tpu.memory_space<hbm>> -> memref<128x128xf32, #tpu.memory_space<hbm>>
      %dma_start3A_58 = arith.constant 0 : i32
      %dma_start3A_59 = tpu.memref_slice %arg10[%add3A_36, %dma_start3A_58] : memref<10000x128xf32, #tpu.memory_space<vmem_shared>> -> memref<128x128xf32, #tpu.memory_space<vmem_shared>>
      tpu.enqueue_dma source(%dma_start3A_59 : memref<128x128xf32, #tpu.memory_space<vmem_shared>>) target(%dma_start3A_57 : memref<128x128xf32, #tpu.memory_space<hbm>>) target_semaphore(%run_scoped3A : memref<!tpu.dma_semaphore, #tpu.memory_space<semaphore_mem>>)
      %dma_wait3A = arith.constant 0 : i32
      %dma_wait3A_60 = tpu.memref_slice %arg5[%arg0, %add3A_38, %dma_wait3A] : memref<2x10000x128xf32, #tpu.memory_space<hbm>> -> memref<1x128x128xf32, #tpu.memory_space<hbm>>
      %dma_wait3A_61 = tpu.memref_squeeze %dma_wait3A_60 : memref<1x128x128xf32, #tpu.memory_space<hbm>> -> memref<128x128xf32, #tpu.memory_space<hbm>>
      %dma_wait3A_62 = arith.constant 0 : i32
      %dma_wait3A_63 = tpu.memref_slice %arg10[%add3A_36, %dma_wait3A_62] : memref<10000x128xf32, #tpu.memory_space<vmem_shared>> -> memref<128x128xf32, #tpu.memory_space<vmem_shared>>
      tpu.wait_dma2 semaphore(%run_scoped3A : memref<!tpu.dma_semaphore, #tpu.memory_space<semaphore_mem>>) src(%dma_wait3A_63 : memref<128x128xf32, #tpu.memory_space<vmem_shared>>) dst(%dma_wait3A_61 : memref<128x128xf32, #tpu.memory_space<hbm>>)
      tpu.yield
    }) : () -> ()
    %add3A_39 = arith.constant 256 : i32
    %add3A_40 = arith.addi %multiple_of3A, %add3A_39 : i32
    %add3A_41 = arith.constant 256 : i32
    %add3A_42 = arith.addi %multiple_of3A, %add3A_41 : i32
    "tpu.region"() ({
      %run_scoped3A = tpu.sem_alloc : memref<!tpu.dma_semaphore, #tpu.memory_space<semaphore_mem>>
      %dma_start3A = arith.constant 0 : i32
      %dma_start3A_56 = tpu.memref_slice %arg5[%arg0, %add3A_42, %dma_start3A] : memref<2x10000x128xf32, #tpu.memory_space<hbm>> -> memref<1x128x128xf32, #tpu.memory_space<hbm>>
      %dma_start3A_57 = tpu.memref_squeeze %dma_start3A_56 : memref<1x128x128xf32, #tpu.memory_space<hbm>> -> memref<128x128xf32, #tpu.memory_space<hbm>>
      %dma_start3A_58 = arith.constant 0 : i32
      %dma_start3A_59 = tpu.memref_slice %arg10[%add3A_40, %dma_start3A_58] : memref<10000x128xf32, #tpu.memory_space<vmem_shared>> -> memref<128x128xf32, #tpu.memory_space<vmem_shared>>
      tpu.enqueue_dma source(%dma_start3A_59 : memref<128x128xf32, #tpu.memory_space<vmem_shared>>) target(%dma_start3A_57 : memref<128x128xf32, #tpu.memory_space<hbm>>) target_semaphore(%run_scoped3A : memref<!tpu.dma_semaphore, #tpu.memory_space<semaphore_mem>>)
      %dma_wait3A = arith.constant 0 : i32
      %dma_wait3A_60 = tpu.memref_slice %arg5[%arg0, %add3A_42, %dma_wait3A] : memref<2x10000x128xf32, #tpu.memory_space<hbm>> -> memref<1x128x128xf32, #tpu.memory_space<hbm>>
      %dma_wait3A_61 = tpu.memref_squeeze %dma_wait3A_60 : memref<1x128x128xf32, #tpu.memory_space<hbm>> -> memref<128x128xf32, #tpu.memory_space<hbm>>
      %dma_wait3A_62 = arith.constant 0 : i32
      %dma_wait3A_63 = tpu.memref_slice %arg10[%add3A_40, %dma_wait3A_62] : memref<10000x128xf32, #tpu.memory_space<vmem_shared>> -> memref<128x128xf32, #tpu.memory_space<vmem_shared>>
      tpu.wait_dma2 semaphore(%run_scoped3A : memref<!tpu.dma_semaphore, #tpu.memory_space<semaphore_mem>>) src(%dma_wait3A_63 : memref<128x128xf32, #tpu.memory_space<vmem_shared>>) dst(%dma_wait3A_61 : memref<128x128xf32, #tpu.memory_space<hbm>>)
      tpu.yield
    }) : () -> ()
    %add3A_43 = arith.constant 384 : i32
    %add3A_44 = arith.addi %multiple_of3A, %add3A_43 : i32
    %add3A_45 = arith.constant 384 : i32
    %add3A_46 = arith.addi %multiple_of3A, %add3A_45 : i32
    "tpu.region"() ({
      %run_scoped3A = tpu.sem_alloc : memref<!tpu.dma_semaphore, #tpu.memory_space<semaphore_mem>>
      %dma_start3A = arith.constant 0 : i32
      %dma_start3A_56 = tpu.memref_slice %arg5[%arg0, %add3A_46, %dma_start3A] : memref<2x10000x128xf32, #tpu.memory_space<hbm>> -> memref<1x128x128xf32, #tpu.memory_space<hbm>>
      %dma_start3A_57 = tpu.memref_squeeze %dma_start3A_56 : memref<1x128x128xf32, #tpu.memory_space<hbm>> -> memref<128x128xf32, #tpu.memory_space<hbm>>
      %dma_start3A_58 = arith.constant 0 : i32
      %dma_start3A_59 = tpu.memref_slice %arg10[%add3A_44, %dma_start3A_58] : memref<10000x128xf32, #tpu.memory_space<vmem_shared>> -> memref<128x128xf32, #tpu.memory_space<vmem_shared>>
      tpu.enqueue_dma source(%dma_start3A_59 : memref<128x128xf32, #tpu.memory_space<vmem_shared>>) target(%dma_start3A_57 : memref<128x128xf32, #tpu.memory_space<hbm>>) target_semaphore(%run_scoped3A : memref<!tpu.dma_semaphore, #tpu.memory_space<semaphore_mem>>)
      %dma_wait3A = arith.constant 0 : i32
      %dma_wait3A_60 = tpu.memref_slice %arg5[%arg0, %add3A_46, %dma_wait3A] : memref<2x10000x128xf32, #tpu.memory_space<hbm>> -> memref<1x128x128xf32, #tpu.memory_space<hbm>>
      %dma_wait3A_61 = tpu.memref_squeeze %dma_wait3A_60 : memref<1x128x128xf32, #tpu.memory_space<hbm>> -> memref<128x128xf32, #tpu.memory_space<hbm>>
      %dma_wait3A_62 = arith.constant 0 : i32
      %dma_wait3A_63 = tpu.memref_slice %arg10[%add3A_44, %dma_wait3A_62] : memref<10000x128xf32, #tpu.memory_space<vmem_shared>> -> memref<128x128xf32, #tpu.memory_space<vmem_shared>>
      tpu.wait_dma2 semaphore(%run_scoped3A : memref<!tpu.dma_semaphore, #tpu.memory_space<semaphore_mem>>) src(%dma_wait3A_63 : memref<128x128xf32, #tpu.memory_space<vmem_shared>>) dst(%dma_wait3A_61 : memref<128x128xf32, #tpu.memory_space<hbm>>)
      tpu.yield
    }) : () -> ()
    %add3A_47 = arith.constant 512 : i32
    %add3A_48 = arith.addi %multiple_of3A, %add3A_47 : i32
    %add3A_49 = arith.constant 512 : i32
    %add3A_50 = arith.addi %multiple_of3A, %add3A_49 : i32
    "tpu.region"() ({
      %run_scoped3A = tpu.sem_alloc : memref<!tpu.dma_semaphore, #tpu.memory_space<semaphore_mem>>
      %dma_start3A = arith.constant 0 : i32
      %dma_start3A_56 = tpu.memref_slice %arg5[%arg0, %add3A_50, %dma_start3A] : memref<2x10000x128xf32, #tpu.memory_space<hbm>> -> memref<1x112x128xf32, #tpu.memory_space<hbm>>
      %dma_start3A_57 = tpu.memref_squeeze %dma_start3A_56 : memref<1x112x128xf32, #tpu.memory_space<hbm>> -> memref<112x128xf32, #tpu.memory_space<hbm>>
      %dma_start3A_58 = arith.constant 0 : i32
      %dma_start3A_59 = tpu.memref_slice %arg10[%add3A_48, %dma_start3A_58] : memref<10000x128xf32, #tpu.memory_space<vmem_shared>> -> memref<112x128xf32, #tpu.memory_space<vmem_shared>>
      tpu.enqueue_dma source(%dma_start3A_59 : memref<112x128xf32, #tpu.memory_space<vmem_shared>>) target(%dma_start3A_57 : memref<112x128xf32, #tpu.memory_space<hbm>>) target_semaphore(%run_scoped3A : memref<!tpu.dma_semaphore, #tpu.memory_space<semaphore_mem>>)
      %dma_wait3A = arith.constant 0 : i32
      %dma_wait3A_60 = tpu.memref_slice %arg5[%arg0, %add3A_50, %dma_wait3A] : memref<2x10000x128xf32, #tpu.memory_space<hbm>> -> memref<1x112x128xf32, #tpu.memory_space<hbm>>
      %dma_wait3A_61 = tpu.memref_squeeze %dma_wait3A_60 : memref<1x112x128xf32, #tpu.memory_space<hbm>> -> memref<112x128xf32, #tpu.memory_space<hbm>>
      %dma_wait3A_62 = arith.constant 0 : i32
      %dma_wait3A_63 = tpu.memref_slice %arg10[%add3A_48, %dma_wait3A_62] : memref<10000x128xf32, #tpu.memory_space<vmem_shared>> -> memref<112x128xf32, #tpu.memory_space<vmem_shared>>
      tpu.wait_dma2 semaphore(%run_scoped3A : memref<!tpu.dma_semaphore, #tpu.memory_space<semaphore_mem>>) src(%dma_wait3A_63 : memref<112x128xf32, #tpu.memory_space<vmem_shared>>) dst(%dma_wait3A_61 : memref<112x128xf32, #tpu.memory_space<hbm>>)
      tpu.yield
    }) : () -> ()
    %eq3A_51 = arith.constant 0 : i32
    %eq3A_52 = arith.cmpi eq, %arg1, %eq3A_51 : i32
    %convert_element_type3A_53 = arith.extui %eq3A_52 : i1 to i32
    %cond3A_54 = arith.constant 0 : i32
    %cond3A_55 = arith.cmpi ne, %convert_element_type3A_53, %cond3A_54 : i32
    scf.if %cond3A_55 {
      "tpu.region"() ({
        %run_scoped3A = tpu.sem_alloc : memref<!tpu.dma_semaphore, #tpu.memory_space<semaphore_mem>>
        %dma_start3A = arith.constant 9984 : i32
        %dma_start3A_56 = arith.constant 0 : i32
        %dma_start3A_57 = tpu.memref_slice %arg5[%arg0, %dma_start3A, %dma_start3A_56] : memref<2x10000x128xf32, #tpu.memory_space<hbm>> -> memref<1x16x128xf32, #tpu.memory_space<hbm>>
        %dma_start3A_58 = tpu.memref_squeeze %dma_start3A_57 : memref<1x16x128xf32, #tpu.memory_space<hbm>> -> memref<16x128xf32, #tpu.memory_space<hbm>>
        %dma_start3A_59 = arith.constant 9984 : i32
        %dma_start3A_60 = arith.constant 0 : i32
        %dma_start3A_61 = tpu.memref_slice %arg10[%dma_start3A_59, %dma_start3A_60] : memref<10000x128xf32, #tpu.memory_space<vmem_shared>> -> memref<16x128xf32, #tpu.memory_space<vmem_shared>>
        tpu.enqueue_dma source(%dma_start3A_61 : memref<16x128xf32, #tpu.memory_space<vmem_shared>>) target(%dma_start3A_58 : memref<16x128xf32, #tpu.memory_space<hbm>>) target_semaphore(%run_scoped3A : memref<!tpu.dma_semaphore, #tpu.memory_space<semaphore_mem>>)
        %dma_wait3A = arith.constant 9984 : i32
        %dma_wait3A_62 = arith.constant 0 : i32
        %dma_wait3A_63 = tpu.memref_slice %arg5[%arg0, %dma_wait3A, %dma_wait3A_62] : memref<2x10000x128xf32, #tpu.memory_space<hbm>> -> memref<1x16x128xf32, #tpu.memory_space<hbm>>
        %dma_wait3A_64 = tpu.memref_squeeze %dma_wait3A_63 : memref<1x16x128xf32, #tpu.memory_space<hbm>> -> memref<16x128xf32, #tpu.memory_space<hbm>>
        %dma_wait3A_65 = arith.constant 9984 : i32
        %dma_wait3A_66 = arith.constant 0 : i32
        %dma_wait3A_67 = tpu.memref_slice %arg10[%dma_wait3A_65, %dma_wait3A_66] : memref<10000x128xf32, #tpu.memory_space<vmem_shared>> -> memref<16x128xf32, #tpu.memory_space<vmem_shared>>
        tpu.wait_dma2 semaphore(%run_scoped3A : memref<!tpu.dma_semaphore, #tpu.memory_space<semaphore_mem>>) src(%dma_wait3A_67 : memref<16x128xf32, #tpu.memory_space<vmem_shared>>) dst(%dma_wait3A_64 : memref<16x128xf32, #tpu.memory_space<hbm>>)
        tpu.yield
      }) : () -> ()
    } else {
    }
    return
  }
}

#map = affine_map<(d0, d1) -> (0, 0)>
#map1 = affine_map<(d0, d1) -> (0)>
#map2 = affine_map<(d0, d1) -> (0, 0, 0)>
module attributes {stable_mosaic.version = 14 : i64} {
  func.func @_msg_sc(%arg0: i32, %arg1: i32, %arg2: memref<10000x128xf32, #tpu.memory_space<hbm>>, %arg3: memref<320000xi32, #tpu.memory_space<hbm>>, %arg4: memref<320000xi32, #tpu.memory_space<hbm>>, %arg5: memref<2x10000x128xf32, #tpu.memory_space<hbm>>, %arg6: memref<1x80xi32, #tpu.memory_space<vmem>>, %arg7: memref<1x80xi32, #tpu.memory_space<vmem>>, %arg8: memref<80x128xf32, #tpu.memory_space<vmem>>, %arg9: memref<128x128xf32, #tpu.memory_space<vmem>>, %arg10: memref<10000x128xf32, #tpu.memory_space<vmem_shared>>, %arg11: memref<!tpu.dma_semaphore, #tpu.memory_space<semaphore_mem>>) attributes {dimension_semantics = [#tpu.dimension_semantics<core_parallel>, #tpu.dimension_semantics<subcore_parallel>], iteration_bounds = array<i64: 2, 16>, scalar_prefetch = 0 : i64, scratch_operands = 6 : i64, tpu.core_type = #tpu.core_type<sc_vector_subcore>, window_params = [{transform_indices = #map}, {transform_indices = #map1}, {transform_indices = #map1}, {transform_indices = #map2}]} {
    %mul3A = arith.constant 2 : i32
    %mul3A_0 = arith.muli %arg1, %mul3A : i32
    %add3A = arith.addi %mul3A_0, %arg0 : i32
    %scan3A = arith.constant 0 : i32
    %scan3A_1 = arith.constant 0 : i32
    %scan3A_2 = arith.constant 128 : i32
    %scan3A_3 = arith.addi %scan3A_1, %scan3A_2 : i32
    %scan3A_4 = arith.constant 1 : i32
    %scan3A_5 = scf.for %scan3A_56 = %scan3A_1 to %scan3A_3 step %scan3A_4 iter_args(%scan3A_57 = %scan3A) -> (i32)  : i32 {
      %broadcast_in_dim3A = arith.constant 0.000000e+00 : f32
      %broadcast_in_dim3A_58 = vector.broadcast %broadcast_in_dim3A : f32 to vector<16xf32>
      %swap3A = arith.index_cast %scan3A_56 : i32 to index
      %swap3A_59 = arith.constant 0 : index
      %swap3A_60 = tpu.vector_load %arg9[%swap3A, %swap3A_59] {strides = array<i32>} : memref<128x128xf32, #tpu.memory_space<vmem>>, vector<1x16xf32>,
      %swap3A_61 = vector.shape_cast %swap3A_60 : vector<1x16xf32> to vector<16xf32>
      %swap3A_62 = vector.shape_cast %broadcast_in_dim3A_58 : vector<16xf32> to vector<1x16xf32>
      tpu.vector_store %arg9[%swap3A, %swap3A_59], %swap3A_62 {strides = array<i32>} : memref<128x128xf32, #tpu.memory_space<vmem>>, vector<1x16xf32>,
      %broadcast_in_dim3A_63 = arith.constant 0.000000e+00 : f32
      %broadcast_in_dim3A_64 = vector.broadcast %broadcast_in_dim3A_63 : f32 to vector<16xf32>
      %swap3A_65 = arith.index_cast %scan3A_56 : i32 to index
      %swap3A_66 = arith.constant 16 : index
      %swap3A_67 = tpu.vector_load %arg9[%swap3A_65, %swap3A_66] {strides = array<i32>} : memref<128x128xf32, #tpu.memory_space<vmem>>, vector<1x16xf32>,
      %swap3A_68 = vector.shape_cast %swap3A_67 : vector<1x16xf32> to vector<16xf32>
      %swap3A_69 = vector.shape_cast %broadcast_in_dim3A_64 : vector<16xf32> to vector<1x16xf32>
      tpu.vector_store %arg9[%swap3A_65, %swap3A_66], %swap3A_69 {strides = array<i32>} : memref<128x128xf32, #tpu.memory_space<vmem>>, vector<1x16xf32>,
      %broadcast_in_dim3A_70 = arith.constant 0.000000e+00 : f32
      %broadcast_in_dim3A_71 = vector.broadcast %broadcast_in_dim3A_70 : f32 to vector<16xf32>
      %swap3A_72 = arith.index_cast %scan3A_56 : i32 to index
      %swap3A_73 = arith.constant 32 : index
      %swap3A_74 = tpu.vector_load %arg9[%swap3A_72, %swap3A_73] {strides = array<i32>} : memref<128x128xf32, #tpu.memory_space<vmem>>, vector<1x16xf32>,
      %swap3A_75 = vector.shape_cast %swap3A_74 : vector<1x16xf32> to vector<16xf32>
      %swap3A_76 = vector.shape_cast %broadcast_in_dim3A_71 : vector<16xf32> to vector<1x16xf32>
      tpu.vector_store %arg9[%swap3A_72, %swap3A_73], %swap3A_76 {strides = array<i32>} : memref<128x128xf32, #tpu.memory_space<vmem>>, vector<1x16xf32>,
      %broadcast_in_dim3A_77 = arith.constant 0.000000e+00 : f32
      %broadcast_in_dim3A_78 = vector.broadcast %broadcast_in_dim3A_77 : f32 to vector<16xf32>
      %swap3A_79 = arith.index_cast %scan3A_56 : i32 to index
      %swap3A_80 = arith.constant 48 : index
      %swap3A_81 = tpu.vector_load %arg9[%swap3A_79, %swap3A_80] {strides = array<i32>} : memref<128x128xf32, #tpu.memory_space<vmem>>, vector<1x16xf32>,
      %swap3A_82 = vector.shape_cast %swap3A_81 : vector<1x16xf32> to vector<16xf32>
      %swap3A_83 = vector.shape_cast %broadcast_in_dim3A_78 : vector<16xf32> to vector<1x16xf32>
      tpu.vector_store %arg9[%swap3A_79, %swap3A_80], %swap3A_83 {strides = array<i32>} : memref<128x128xf32, #tpu.memory_space<vmem>>, vector<1x16xf32>,
      %broadcast_in_dim3A_84 = arith.constant 0.000000e+00 : f32
      %broadcast_in_dim3A_85 = vector.broadcast %broadcast_in_dim3A_84 : f32 to vector<16xf32>
      %swap3A_86 = arith.index_cast %scan3A_56 : i32 to index
      %swap3A_87 = arith.constant 64 : index
      %swap3A_88 = tpu.vector_load %arg9[%swap3A_86, %swap3A_87] {strides = array<i32>} : memref<128x128xf32, #tpu.memory_space<vmem>>, vector<1x16xf32>,
      %swap3A_89 = vector.shape_cast %swap3A_88 : vector<1x16xf32> to vector<16xf32>
      %swap3A_90 = vector.shape_cast %broadcast_in_dim3A_85 : vector<16xf32> to vector<1x16xf32>
      tpu.vector_store %arg9[%swap3A_86, %swap3A_87], %swap3A_90 {strides = array<i32>} : memref<128x128xf32, #tpu.memory_space<vmem>>, vector<1x16xf32>,
      %broadcast_in_dim3A_91 = arith.constant 0.000000e+00 : f32
      %broadcast_in_dim3A_92 = vector.broadcast %broadcast_in_dim3A_91 : f32 to vector<16xf32>
      %swap3A_93 = arith.index_cast %scan3A_56 : i32 to index
      %swap3A_94 = arith.constant 80 : index
      %swap3A_95 = tpu.vector_load %arg9[%swap3A_93, %swap3A_94] {strides = array<i32>} : memref<128x128xf32, #tpu.memory_space<vmem>>, vector<1x16xf32>,
      %swap3A_96 = vector.shape_cast %swap3A_95 : vector<1x16xf32> to vector<16xf32>
      %swap3A_97 = vector.shape_cast %broadcast_in_dim3A_92 : vector<16xf32> to vector<1x16xf32>
      tpu.vector_store %arg9[%swap3A_93, %swap3A_94], %swap3A_97 {strides = array<i32>} : memref<128x128xf32, #tpu.memory_space<vmem>>, vector<1x16xf32>,
      %broadcast_in_dim3A_98 = arith.constant 0.000000e+00 : f32
      %broadcast_in_dim3A_99 = vector.broadcast %broadcast_in_dim3A_98 : f32 to vector<16xf32>
      %swap3A_100 = arith.index_cast %scan3A_56 : i32 to index
      %swap3A_101 = arith.constant 96 : index
      %swap3A_102 = tpu.vector_load %arg9[%swap3A_100, %swap3A_101] {strides = array<i32>} : memref<128x128xf32, #tpu.memory_space<vmem>>, vector<1x16xf32>,
      %swap3A_103 = vector.shape_cast %swap3A_102 : vector<1x16xf32> to vector<16xf32>
      %swap3A_104 = vector.shape_cast %broadcast_in_dim3A_99 : vector<16xf32> to vector<1x16xf32>
      tpu.vector_store %arg9[%swap3A_100, %swap3A_101], %swap3A_104 {strides = array<i32>} : memref<128x128xf32, #tpu.memory_space<vmem>>, vector<1x16xf32>,
      %broadcast_in_dim3A_105 = arith.constant 0.000000e+00 : f32
      %broadcast_in_dim3A_106 = vector.broadcast %broadcast_in_dim3A_105 : f32 to vector<16xf32>
      %swap3A_107 = arith.index_cast %scan3A_56 : i32 to index
      %swap3A_108 = arith.constant 112 : index
      %swap3A_109 = tpu.vector_load %arg9[%swap3A_107, %swap3A_108] {strides = array<i32>} : memref<128x128xf32, #tpu.memory_space<vmem>>, vector<1x16xf32>,
      %swap3A_110 = vector.shape_cast %swap3A_109 : vector<1x16xf32> to vector<16xf32>
      %swap3A_111 = vector.shape_cast %broadcast_in_dim3A_106 : vector<16xf32> to vector<1x16xf32>
      tpu.vector_store %arg9[%swap3A_107, %swap3A_108], %swap3A_111 {strides = array<i32>} : memref<128x128xf32, #tpu.memory_space<vmem>>, vector<1x16xf32>,
      %scan3A_112 = arith.constant 0 : i32
      scf.yield %scan3A_112 : i32
    }
    %scan3A_6 = arith.constant 128 : i32
    %mul3A_7 = arith.constant 624 : i32
    %mul3A_8 = arith.muli %arg1, %mul3A_7 : i32
    %multiple_of3A = tpu.assume_multiple %mul3A_8, 8 : i32
    %add3A_9 = arith.constant 0 : i32
    %add3A_10 = arith.addi %multiple_of3A, %add3A_9 : i32
    "tpu.region"() ({
      %run_scoped3A = tpu.sem_alloc : memref<!tpu.dma_semaphore, #tpu.memory_space<semaphore_mem>>
      %dma_start3A = arith.constant 0 : i32
      %dma_start3A_56 = tpu.memref_slice %arg10[%add3A_10, %dma_start3A] : memref<10000x128xf32, #tpu.memory_space<vmem_shared>> -> memref<128x128xf32, #tpu.memory_space<vmem_shared>>
      %dma_start3A_57 = arith.constant 0 : i32
      %dma_start3A_58 = tpu.memref_slice %arg10[%add3A_10, %dma_start3A_57] : memref<10000x128xf32, #tpu.memory_space<vmem_shared>> -> memref<128x128xf32, #tpu.memory_space<vmem_shared>>
      tpu.enqueue_dma source(%arg9 : memref<128x128xf32, #tpu.memory_space<vmem>>) target(%dma_start3A_58 : memref<128x128xf32, #tpu.memory_space<vmem_shared>>) target_semaphore(%run_scoped3A : memref<!tpu.dma_semaphore, #tpu.memory_space<semaphore_mem>>)
      %dma_wait3A = arith.constant 0 : i32
      %dma_wait3A_59 = tpu.memref_slice %arg10[%add3A_10, %dma_wait3A] : memref<10000x128xf32, #tpu.memory_space<vmem_shared>> -> memref<128x128xf32, #tpu.memory_space<vmem_shared>>
      %dma_wait3A_60 = arith.constant 0 : i32
      %dma_wait3A_61 = tpu.memref_slice %arg10[%add3A_10, %dma_wait3A_60] : memref<10000x128xf32, #tpu.memory_space<vmem_shared>> -> memref<128x128xf32, #tpu.memory_space<vmem_shared>>
      tpu.wait_dma2 semaphore(%run_scoped3A : memref<!tpu.dma_semaphore, #tpu.memory_space<semaphore_mem>>) src(%arg9 : memref<128x128xf32, #tpu.memory_space<vmem>>) dst(%dma_wait3A_61 : memref<128x128xf32, #tpu.memory_space<vmem_shared>>)
      tpu.yield
    }) : () -> ()
    %add3A_11 = arith.constant 128 : i32
    %add3A_12 = arith.addi %multiple_of3A, %add3A_11 : i32
    "tpu.region"() ({
      %run_scoped3A = tpu.sem_alloc : memref<!tpu.dma_semaphore, #tpu.memory_space<semaphore_mem>>
      %dma_start3A = arith.constant 0 : i32
      %dma_start3A_56 = tpu.memref_slice %arg10[%add3A_12, %dma_start3A] : memref<10000x128xf32, #tpu.memory_space<vmem_shared>> -> memref<128x128xf32, #tpu.memory_space<vmem_shared>>
      %dma_start3A_57 = arith.constant 0 : i32
      %dma_start3A_58 = tpu.memref_slice %arg10[%add3A_12, %dma_start3A_57] : memref<10000x128xf32, #tpu.memory_space<vmem_shared>> -> memref<128x128xf32, #tpu.memory_space<vmem_shared>>
      tpu.enqueue_dma source(%arg9 : memref<128x128xf32, #tpu.memory_space<vmem>>) target(%dma_start3A_58 : memref<128x128xf32, #tpu.memory_space<vmem_shared>>) target_semaphore(%run_scoped3A : memref<!tpu.dma_semaphore, #tpu.memory_space<semaphore_mem>>)
      %dma_wait3A = arith.constant 0 : i32
      %dma_wait3A_59 = tpu.memref_slice %arg10[%add3A_12, %dma_wait3A] : memref<10000x128xf32, #tpu.memory_space<vmem_shared>> -> memref<128x128xf32, #tpu.memory_space<vmem_shared>>
      %dma_wait3A_60 = arith.constant 0 : i32
      %dma_wait3A_61 = tpu.memref_slice %arg10[%add3A_12, %dma_wait3A_60] : memref<10000x128xf32, #tpu.memory_space<vmem_shared>> -> memref<128x128xf32, #tpu.memory_space<vmem_shared>>
      tpu.wait_dma2 semaphore(%run_scoped3A : memref<!tpu.dma_semaphore, #tpu.memory_space<semaphore_mem>>) src(%arg9 : memref<128x128xf32, #tpu.memory_space<vmem>>) dst(%dma_wait3A_61 : memref<128x128xf32, #tpu.memory_space<vmem_shared>>)
      tpu.yield
    }) : () -> ()
    %add3A_13 = arith.constant 256 : i32
    %add3A_14 = arith.addi %multiple_of3A, %add3A_13 : i32
    "tpu.region"() ({
      %run_scoped3A = tpu.sem_alloc : memref<!tpu.dma_semaphore, #tpu.memory_space<semaphore_mem>>
      %dma_start3A = arith.constant 0 : i32
      %dma_start3A_56 = tpu.memref_slice %arg10[%add3A_14, %dma_start3A] : memref<10000x128xf32, #tpu.memory_space<vmem_shared>> -> memref<128x128xf32, #tpu.memory_space<vmem_shared>>
      %dma_start3A_57 = arith.constant 0 : i32
      %dma_start3A_58 = tpu.memref_slice %arg10[%add3A_14, %dma_start3A_57] : memref<10000x128xf32, #tpu.memory_space<vmem_shared>> -> memref<128x128xf32, #tpu.memory_space<vmem_shared>>
      tpu.enqueue_dma source(%arg9 : memref<128x128xf32, #tpu.memory_space<vmem>>) target(%dma_start3A_58 : memref<128x128xf32, #tpu.memory_space<vmem_shared>>) target_semaphore(%run_scoped3A : memref<!tpu.dma_semaphore, #tpu.memory_space<semaphore_mem>>)
      %dma_wait3A = arith.constant 0 : i32
      %dma_wait3A_59 = tpu.memref_slice %arg10[%add3A_14, %dma_wait3A] : memref<10000x128xf32, #tpu.memory_space<vmem_shared>> -> memref<128x128xf32, #tpu.memory_space<vmem_shared>>
      %dma_wait3A_60 = arith.constant 0 : i32
      %dma_wait3A_61 = tpu.memref_slice %arg10[%add3A_14, %dma_wait3A_60] : memref<10000x128xf32, #tpu.memory_space<vmem_shared>> -> memref<128x128xf32, #tpu.memory_space<vmem_shared>>
      tpu.wait_dma2 semaphore(%run_scoped3A : memref<!tpu.dma_semaphore, #tpu.memory_space<semaphore_mem>>) src(%arg9 : memref<128x128xf32, #tpu.memory_space<vmem>>) dst(%dma_wait3A_61 : memref<128x128xf32, #tpu.memory_space<vmem_shared>>)
      tpu.yield
    }) : () -> ()
    %add3A_15 = arith.constant 384 : i32
    %add3A_16 = arith.addi %multiple_of3A, %add3A_15 : i32
    "tpu.region"() ({
      %run_scoped3A = tpu.sem_alloc : memref<!tpu.dma_semaphore, #tpu.memory_space<semaphore_mem>>
      %dma_start3A = arith.constant 0 : i32
      %dma_start3A_56 = tpu.memref_slice %arg10[%add3A_16, %dma_start3A] : memref<10000x128xf32, #tpu.memory_space<vmem_shared>> -> memref<128x128xf32, #tpu.memory_space<vmem_shared>>
      %dma_start3A_57 = arith.constant 0 : i32
      %dma_start3A_58 = tpu.memref_slice %arg10[%add3A_16, %dma_start3A_57] : memref<10000x128xf32, #tpu.memory_space<vmem_shared>> -> memref<128x128xf32, #tpu.memory_space<vmem_shared>>
      tpu.enqueue_dma source(%arg9 : memref<128x128xf32, #tpu.memory_space<vmem>>) target(%dma_start3A_58 : memref<128x128xf32, #tpu.memory_space<vmem_shared>>) target_semaphore(%run_scoped3A : memref<!tpu.dma_semaphore, #tpu.memory_space<semaphore_mem>>)
      %dma_wait3A = arith.constant 0 : i32
      %dma_wait3A_59 = tpu.memref_slice %arg10[%add3A_16, %dma_wait3A] : memref<10000x128xf32, #tpu.memory_space<vmem_shared>> -> memref<128x128xf32, #tpu.memory_space<vmem_shared>>
      %dma_wait3A_60 = arith.constant 0 : i32
      %dma_wait3A_61 = tpu.memref_slice %arg10[%add3A_16, %dma_wait3A_60] : memref<10000x128xf32, #tpu.memory_space<vmem_shared>> -> memref<128x128xf32, #tpu.memory_space<vmem_shared>>
      tpu.wait_dma2 semaphore(%run_scoped3A : memref<!tpu.dma_semaphore, #tpu.memory_space<semaphore_mem>>) src(%arg9 : memref<128x128xf32, #tpu.memory_space<vmem>>) dst(%dma_wait3A_61 : memref<128x128xf32, #tpu.memory_space<vmem_shared>>)
      tpu.yield
    }) : () -> ()
    %add3A_17 = arith.constant 512 : i32
    %add3A_18 = arith.addi %multiple_of3A, %add3A_17 : i32
    "tpu.region"() ({
      %run_scoped3A = tpu.sem_alloc : memref<!tpu.dma_semaphore, #tpu.memory_space<semaphore_mem>>
      %dma_start3A = arith.constant 0 : i32
      %dma_start3A_56 = arith.constant 0 : i32
      %dma_start3A_57 = tpu.memref_slice %arg9[%dma_start3A, %dma_start3A_56] : memref<128x128xf32, #tpu.memory_space<vmem>> -> memref<112x128xf32, #tpu.memory_space<vmem>>
      %dma_start3A_58 = arith.constant 0 : i32
      %dma_start3A_59 = tpu.memref_slice %arg10[%add3A_18, %dma_start3A_58] : memref<10000x128xf32, #tpu.memory_space<vmem_shared>> -> memref<112x128xf32, #tpu.memory_space<vmem_shared>>
      %dma_start3A_60 = arith.constant 0 : i32
      %dma_start3A_61 = tpu.memref_slice %arg10[%add3A_18, %dma_start3A_60] : memref<10000x128xf32, #tpu.memory_space<vmem_shared>> -> memref<112x128xf32, #tpu.memory_space<vmem_shared>>
      %dma_start3A_62 = arith.constant 0 : i32
      %dma_start3A_63 = arith.constant 0 : i32
      %dma_start3A_64 = tpu.memref_slice %arg9[%dma_start3A_62, %dma_start3A_63] : memref<128x128xf32, #tpu.memory_space<vmem>> -> memref<112x128xf32, #tpu.memory_space<vmem>>
      tpu.enqueue_dma source(%dma_start3A_64 : memref<112x128xf32, #tpu.memory_space<vmem>>) target(%dma_start3A_61 : memref<112x128xf32, #tpu.memory_space<vmem_shared>>) target_semaphore(%run_scoped3A : memref<!tpu.dma_semaphore, #tpu.memory_space<semaphore_mem>>)
      %dma_wait3A = arith.constant 0 : i32
      %dma_wait3A_65 = arith.constant 0 : i32
      %dma_wait3A_66 = tpu.memref_slice %arg9[%dma_wait3A, %dma_wait3A_65] : memref<128x128xf32, #tpu.memory_space<vmem>> -> memref<112x128xf32, #tpu.memory_space<vmem>>
      %dma_wait3A_67 = arith.constant 0 : i32
      %dma_wait3A_68 = tpu.memref_slice %arg10[%add3A_18, %dma_wait3A_67] : memref<10000x128xf32, #tpu.memory_space<vmem_shared>> -> memref<112x128xf32, #tpu.memory_space<vmem_shared>>
      %dma_wait3A_69 = arith.constant 0 : i32
      %dma_wait3A_70 = tpu.memref_slice %arg10[%add3A_18, %dma_wait3A_69] : memref<10000x128xf32, #tpu.memory_space<vmem_shared>> -> memref<112x128xf32, #tpu.memory_space<vmem_shared>>
      %dma_wait3A_71 = arith.constant 0 : i32
      %dma_wait3A_72 = arith.constant 0 : i32
      %dma_wait3A_73 = tpu.memref_slice %arg9[%dma_wait3A_71, %dma_wait3A_72] : memref<128x128xf32, #tpu.memory_space<vmem>> -> memref<112x128xf32, #tpu.memory_space<vmem>>
      tpu.wait_dma2 semaphore(%run_scoped3A : memref<!tpu.dma_semaphore, #tpu.memory_space<semaphore_mem>>) src(%dma_wait3A_73 : memref<112x128xf32, #tpu.memory_space<vmem>>) dst(%dma_wait3A_70 : memref<112x128xf32, #tpu.memory_space<vmem_shared>>)
      tpu.yield
    }) : () -> ()
    %eq3A = arith.constant 0 : i32
    %eq3A_19 = arith.cmpi eq, %arg1, %eq3A : i32
    %convert_element_type3A = arith.extui %eq3A_19 : i1 to i32
    %cond3A = arith.constant 0 : i32
    %cond3A_20 = arith.cmpi ne, %convert_element_type3A, %cond3A : i32
    scf.if %cond3A_20 {
      "tpu.region"() ({
        %run_scoped3A = tpu.sem_alloc : memref<!tpu.dma_semaphore, #tpu.memory_space<semaphore_mem>>
        %dma_start3A = arith.constant 0 : i32
        %dma_start3A_56 = arith.constant 0 : i32
        %dma_start3A_57 = tpu.memref_slice %arg9[%dma_start3A, %dma_start3A_56] : memref<128x128xf32, #tpu.memory_space<vmem>> -> memref<16x128xf32, #tpu.memory_space<vmem>>
        %dma_start3A_58 = arith.constant 9984 : i32
        %dma_start3A_59 = arith.constant 0 : i32
        %dma_start3A_60 = tpu.memref_slice %arg10[%dma_start3A_58, %dma_start3A_59] : memref<10000x128xf32, #tpu.memory_space<vmem_shared>> -> memref<16x128xf32, #tpu.memory_space<vmem_shared>>
        %dma_start3A_61 = arith.constant 9984 : i32
        %dma_start3A_62 = arith.constant 0 : i32
        %dma_start3A_63 = tpu.memref_slice %arg10[%dma_start3A_61, %dma_start3A_62] : memref<10000x128xf32, #tpu.memory_space<vmem_shared>> -> memref<16x128xf32, #tpu.memory_space<vmem_shared>>
        %dma_start3A_64 = arith.constant 0 : i32
        %dma_start3A_65 = arith.constant 0 : i32
        %dma_start3A_66 = tpu.memref_slice %arg9[%dma_start3A_64, %dma_start3A_65] : memref<128x128xf32, #tpu.memory_space<vmem>> -> memref<16x128xf32, #tpu.memory_space<vmem>>
        tpu.enqueue_dma source(%dma_start3A_66 : memref<16x128xf32, #tpu.memory_space<vmem>>) target(%dma_start3A_63 : memref<16x128xf32, #tpu.memory_space<vmem_shared>>) target_semaphore(%run_scoped3A : memref<!tpu.dma_semaphore, #tpu.memory_space<semaphore_mem>>)
        %dma_wait3A = arith.constant 0 : i32
        %dma_wait3A_67 = arith.constant 0 : i32
        %dma_wait3A_68 = tpu.memref_slice %arg9[%dma_wait3A, %dma_wait3A_67] : memref<128x128xf32, #tpu.memory_space<vmem>> -> memref<16x128xf32, #tpu.memory_space<vmem>>
        %dma_wait3A_69 = arith.constant 9984 : i32
        %dma_wait3A_70 = arith.constant 0 : i32
        %dma_wait3A_71 = tpu.memref_slice %arg10[%dma_wait3A_69, %dma_wait3A_70] : memref<10000x128xf32, #tpu.memory_space<vmem_shared>> -> memref<16x128xf32, #tpu.memory_space<vmem_shared>>
        %dma_wait3A_72 = arith.constant 9984 : i32
        %dma_wait3A_73 = arith.constant 0 : i32
        %dma_wait3A_74 = tpu.memref_slice %arg10[%dma_wait3A_72, %dma_wait3A_73] : memref<10000x128xf32, #tpu.memory_space<vmem_shared>> -> memref<16x128xf32, #tpu.memory_space<vmem_shared>>
        %dma_wait3A_75 = arith.constant 0 : i32
        %dma_wait3A_76 = arith.constant 0 : i32
        %dma_wait3A_77 = tpu.memref_slice %arg9[%dma_wait3A_75, %dma_wait3A_76] : memref<128x128xf32, #tpu.memory_space<vmem>> -> memref<16x128xf32, #tpu.memory_space<vmem>>
        tpu.wait_dma2 semaphore(%run_scoped3A : memref<!tpu.dma_semaphore, #tpu.memory_space<semaphore_mem>>) src(%dma_wait3A_77 : memref<16x128xf32, #tpu.memory_space<vmem>>) dst(%dma_wait3A_74 : memref<16x128xf32, #tpu.memory_space<vmem_shared>>)
        tpu.yield
      }) : () -> ()
    } else {
    }
    %barrier3A = arith.constant 0 : index
    tpu.barrier barrier_id(%barrier3A)
    %mul3A_21 = arith.constant 10000 : i32
    %mul3A_22 = arith.muli %add3A, %mul3A_21 : i32
    %scan3A_23 = arith.constant 0 : i32
    %scan3A_24 = arith.constant 0 : i32
    %scan3A_25 = arith.constant 125 : i32
    %scan3A_26 = arith.addi %scan3A_24, %scan3A_25 : i32
    %scan3A_27 = arith.constant 1 : i32
    %scan3A_28 = scf.for %scan3A_56 = %scan3A_24 to %scan3A_26 step %scan3A_27 iter_args(%scan3A_57 = %scan3A_23) -> (i32)  : i32 {
      %mul3A_58 = arith.constant 80 : i32
      %mul3A_59 = arith.muli %scan3A_56, %mul3A_58 : i32
      %add3A_60 = arith.addi %mul3A_22, %mul3A_59 : i32
      %run_scoped3A = arith.constant 0 : i32
      "tpu.region"() ({
        %run_scoped3A_76 = tpu.sem_alloc : memref<!tpu.dma_semaphore, #tpu.memory_space<semaphore_mem>>
        %dma_start3A_77 = arith.constant 0 : i32
        %dma_start3A_78 = tpu.memref_slice %arg6[%run_scoped3A, %dma_start3A_77] : memref<1x80xi32, #tpu.memory_space<vmem>> -> memref<1x80xi32, #tpu.memory_space<vmem>>
        %dma_start3A_79 = tpu.memref_squeeze %dma_start3A_78 : memref<1x80xi32, #tpu.memory_space<vmem>> -> memref<80xi32, #tpu.memory_space<vmem>>
        %dma_start3A_80 = tpu.memref_slice %arg3[%add3A_60] : memref<320000xi32, #tpu.memory_space<hbm>> -> memref<80xi32, #tpu.memory_space<hbm>>
        %dma_start3A_81 = arith.constant 0 : i32
        %dma_start3A_82 = tpu.memref_slice %arg6[%run_scoped3A, %dma_start3A_81] : memref<1x80xi32, #tpu.memory_space<vmem>> -> memref<1x80xi32, #tpu.memory_space<vmem>>
        %dma_start3A_83 = tpu.memref_squeeze %dma_start3A_82 : memref<1x80xi32, #tpu.memory_space<vmem>> -> memref<80xi32, #tpu.memory_space<vmem>>
        %dma_start3A_84 = tpu.memref_slice %arg3[%add3A_60] : memref<320000xi32, #tpu.memory_space<hbm>> -> memref<80xi32, #tpu.memory_space<hbm>>
        tpu.enqueue_dma source(%dma_start3A_84 : memref<80xi32, #tpu.memory_space<hbm>>) target(%dma_start3A_83 : memref<80xi32, #tpu.memory_space<vmem>>) target_semaphore(%run_scoped3A_76 : memref<!tpu.dma_semaphore, #tpu.memory_space<semaphore_mem>>)
        %dma_wait3A_85 = arith.constant 0 : i32
        %dma_wait3A_86 = tpu.memref_slice %arg6[%run_scoped3A, %dma_wait3A_85] : memref<1x80xi32, #tpu.memory_space<vmem>> -> memref<1x80xi32, #tpu.memory_space<vmem>>
        %dma_wait3A_87 = tpu.memref_squeeze %dma_wait3A_86 : memref<1x80xi32, #tpu.memory_space<vmem>> -> memref<80xi32, #tpu.memory_space<vmem>>
        %dma_wait3A_88 = tpu.memref_slice %arg3[%add3A_60] : memref<320000xi32, #tpu.memory_space<hbm>> -> memref<80xi32, #tpu.memory_space<hbm>>
        %dma_wait3A_89 = arith.constant 0 : i32
        %dma_wait3A_90 = tpu.memref_slice %arg6[%run_scoped3A, %dma_wait3A_89] : memref<1x80xi32, #tpu.memory_space<vmem>> -> memref<1x80xi32, #tpu.memory_space<vmem>>
        %dma_wait3A_91 = tpu.memref_squeeze %dma_wait3A_90 : memref<1x80xi32, #tpu.memory_space<vmem>> -> memref<80xi32, #tpu.memory_space<vmem>>
        %dma_wait3A_92 = tpu.memref_slice %arg3[%add3A_60] : memref<320000xi32, #tpu.memory_space<hbm>> -> memref<80xi32, #tpu.memory_space<hbm>>
        tpu.wait_dma2 semaphore(%run_scoped3A_76 : memref<!tpu.dma_semaphore, #tpu.memory_space<semaphore_mem>>) src(%dma_wait3A_92 : memref<80xi32, #tpu.memory_space<hbm>>) dst(%dma_wait3A_91 : memref<80xi32, #tpu.memory_space<vmem>>)
        tpu.yield
      }) : () -> ()
      %run_scoped3A_61 = arith.constant 0 : i32
      "tpu.region"() ({
        %run_scoped3A_76 = tpu.sem_alloc : memref<!tpu.dma_semaphore, #tpu.memory_space<semaphore_mem>>
        %dma_start3A_77 = arith.constant 0 : i32
        %dma_start3A_78 = tpu.memref_slice %arg7[%run_scoped3A_61, %dma_start3A_77] : memref<1x80xi32, #tpu.memory_space<vmem>> -> memref<1x80xi32, #tpu.memory_space<vmem>>
        %dma_start3A_79 = tpu.memref_squeeze %dma_start3A_78 : memref<1x80xi32, #tpu.memory_space<vmem>> -> memref<80xi32, #tpu.memory_space<vmem>>
        %dma_start3A_80 = tpu.memref_slice %arg4[%add3A_60] : memref<320000xi32, #tpu.memory_space<hbm>> -> memref<80xi32, #tpu.memory_space<hbm>>
        %dma_start3A_81 = arith.constant 0 : i32
        %dma_start3A_82 = tpu.memref_slice %arg7[%run_scoped3A_61, %dma_start3A_81] : memref<1x80xi32, #tpu.memory_space<vmem>> -> memref<1x80xi32, #tpu.memory_space<vmem>>
        %dma_start3A_83 = tpu.memref_squeeze %dma_start3A_82 : memref<1x80xi32, #tpu.memory_space<vmem>> -> memref<80xi32, #tpu.memory_space<vmem>>
        %dma_start3A_84 = tpu.memref_slice %arg4[%add3A_60] : memref<320000xi32, #tpu.memory_space<hbm>> -> memref<80xi32, #tpu.memory_space<hbm>>
        tpu.enqueue_dma source(%dma_start3A_84 : memref<80xi32, #tpu.memory_space<hbm>>) target(%dma_start3A_83 : memref<80xi32, #tpu.memory_space<vmem>>) target_semaphore(%run_scoped3A_76 : memref<!tpu.dma_semaphore, #tpu.memory_space<semaphore_mem>>)
        %dma_wait3A_85 = arith.constant 0 : i32
        %dma_wait3A_86 = tpu.memref_slice %arg7[%run_scoped3A_61, %dma_wait3A_85] : memref<1x80xi32, #tpu.memory_space<vmem>> -> memref<1x80xi32, #tpu.memory_space<vmem>>
        %dma_wait3A_87 = tpu.memref_squeeze %dma_wait3A_86 : memref<1x80xi32, #tpu.memory_space<vmem>> -> memref<80xi32, #tpu.memory_space<vmem>>
        %dma_wait3A_88 = tpu.memref_slice %arg4[%add3A_60] : memref<320000xi32, #tpu.memory_space<hbm>> -> memref<80xi32, #tpu.memory_space<hbm>>
        %dma_wait3A_89 = arith.constant 0 : i32
        %dma_wait3A_90 = tpu.memref_slice %arg7[%run_scoped3A_61, %dma_wait3A_89] : memref<1x80xi32, #tpu.memory_space<vmem>> -> memref<1x80xi32, #tpu.memory_space<vmem>>
        %dma_wait3A_91 = tpu.memref_squeeze %dma_wait3A_90 : memref<1x80xi32, #tpu.memory_space<vmem>> -> memref<80xi32, #tpu.memory_space<vmem>>
        %dma_wait3A_92 = tpu.memref_slice %arg4[%add3A_60] : memref<320000xi32, #tpu.memory_space<hbm>> -> memref<80xi32, #tpu.memory_space<hbm>>
        tpu.wait_dma2 semaphore(%run_scoped3A_76 : memref<!tpu.dma_semaphore, #tpu.memory_space<semaphore_mem>>) src(%dma_wait3A_92 : memref<80xi32, #tpu.memory_space<hbm>>) dst(%dma_wait3A_91 : memref<80xi32, #tpu.memory_space<vmem>>)
        tpu.yield
      }) : () -> ()
      %dma_start3A = arith.constant 0 : i32
      %dma_start3A_62 = arith.constant 0 : i32
      %dma_start3A_63 = tpu.memref_slice %arg6[%dma_start3A, %dma_start3A_62] : memref<1x80xi32, #tpu.memory_space<vmem>> -> memref<1x80xi32, #tpu.memory_space<vmem>>
      %dma_start3A_64 = tpu.memref_squeeze %dma_start3A_63 : memref<1x80xi32, #tpu.memory_space<vmem>> -> memref<80xi32, #tpu.memory_space<vmem>>
      %dma_start3A_65 = arith.constant 0 : i32
      %dma_start3A_66 = arith.constant 0 : i32
      %dma_start3A_67 = tpu.memref_slice %arg2[%dma_start3A_65, %dma_start3A_66] : memref<10000x128xf32, #tpu.memory_space<hbm>> -> memref<10000x128xf32, #tpu.memory_space<hbm>>
      tpu.enqueue_indirect_dma source(%dma_start3A_67 : memref<10000x128xf32, #tpu.memory_space<hbm>>) target(%arg8 : memref<80x128xf32, #tpu.memory_space<vmem>>) offsets(%dma_start3A_64 : memref<80xi32, #tpu.memory_space<vmem>>) semaphore(%arg11 : memref<!tpu.dma_semaphore, #tpu.memory_space<semaphore_mem>>)
      %dma_wait3A = arith.constant 0 : i32
      %dma_wait3A_68 = arith.constant 0 : i32
      %dma_wait3A_69 = tpu.memref_slice %arg6[%dma_wait3A, %dma_wait3A_68] : memref<1x80xi32, #tpu.memory_space<vmem>> -> memref<1x80xi32, #tpu.memory_space<vmem>>
      %dma_wait3A_70 = tpu.memref_squeeze %dma_wait3A_69 : memref<1x80xi32, #tpu.memory_space<vmem>> -> memref<80xi32, #tpu.memory_space<vmem>>
      %dma_wait3A_71 = arith.constant 0 : i32
      %dma_wait3A_72 = arith.constant 0 : i32
      %dma_wait3A_73 = tpu.memref_slice %arg2[%dma_wait3A_71, %dma_wait3A_72] : memref<10000x128xf32, #tpu.memory_space<hbm>> -> memref<10000x128xf32, #tpu.memory_space<hbm>>
      tpu.wait_indirect_dma semaphore(%arg11 : memref<!tpu.dma_semaphore, #tpu.memory_space<semaphore_mem>>) src(%dma_wait3A_73 : memref<10000x128xf32, #tpu.memory_space<hbm>>) dst(%arg8 : memref<80x128xf32, #tpu.memory_space<vmem>>)
      %run_scoped3A_74 = arith.constant 0 : i32
      "tpu.region"() ({
        %run_scoped3A_76 = tpu.sem_alloc : memref<!tpu.dma_semaphore, #tpu.memory_space<semaphore_mem>>
        %dma_start3A_77 = arith.constant 0 : i32
        %dma_start3A_78 = tpu.memref_slice %arg7[%run_scoped3A_74, %dma_start3A_77] : memref<1x80xi32, #tpu.memory_space<vmem>> -> memref<1x80xi32, #tpu.memory_space<vmem>>
        %dma_start3A_79 = tpu.memref_squeeze %dma_start3A_78 : memref<1x80xi32, #tpu.memory_space<vmem>> -> memref<80xi32, #tpu.memory_space<vmem>>
        %dma_start3A_80 = arith.constant 0 : i32
        %dma_start3A_81 = arith.constant 0 : i32
        %dma_start3A_82 = tpu.memref_slice %arg10[%dma_start3A_80, %dma_start3A_81] : memref<10000x128xf32, #tpu.memory_space<vmem_shared>> -> memref<10000x128xf32, #tpu.memory_space<vmem_shared>>
        tpu.enqueue_indirect_dma source(%arg8 : memref<80x128xf32, #tpu.memory_space<vmem>>) target(%dma_start3A_82 : memref<10000x128xf32, #tpu.memory_space<vmem_shared>>) offsets(%dma_start3A_79 : memref<80xi32, #tpu.memory_space<vmem>>) semaphore(%run_scoped3A_76 : memref<!tpu.dma_semaphore, #tpu.memory_space<semaphore_mem>>) {add = true}
        %dma_wait3A_83 = arith.constant 0 : i32
        %dma_wait3A_84 = tpu.memref_slice %arg7[%run_scoped3A_74, %dma_wait3A_83] : memref<1x80xi32, #tpu.memory_space<vmem>> -> memref<1x80xi32, #tpu.memory_space<vmem>>
        %dma_wait3A_85 = tpu.memref_squeeze %dma_wait3A_84 : memref<1x80xi32, #tpu.memory_space<vmem>> -> memref<80xi32, #tpu.memory_space<vmem>>
        %dma_wait3A_86 = arith.constant 0 : i32
        %dma_wait3A_87 = arith.constant 0 : i32
        %dma_wait3A_88 = tpu.memref_slice %arg10[%dma_wait3A_86, %dma_wait3A_87] : memref<10000x128xf32, #tpu.memory_space<vmem_shared>> -> memref<10000x128xf32, #tpu.memory_space<vmem_shared>>
        tpu.wait_indirect_dma semaphore(%run_scoped3A_76 : memref<!tpu.dma_semaphore, #tpu.memory_space<semaphore_mem>>) src(%arg8 : memref<80x128xf32, #tpu.memory_space<vmem>>) dst(%dma_wait3A_88 : memref<10000x128xf32, #tpu.memory_space<vmem_shared>>)
        tpu.yield
      }) : () -> ()
      %scan3A_75 = arith.constant 0 : i32
      scf.yield %scan3A_75 : i32
    }
    %scan3A_29 = arith.constant 125 : i32
    %barrier3A_30 = arith.constant 0 : index
    tpu.barrier barrier_id(%barrier3A_30)
    %add3A_31 = arith.constant 0 : i32
    %add3A_32 = arith.addi %multiple_of3A, %add3A_31 : i32
    %add3A_33 = arith.constant 0 : i32
    %add3A_34 = arith.addi %multiple_of3A, %add3A_33 : i32
    "tpu.region"() ({
      %run_scoped3A = tpu.sem_alloc : memref<!tpu.dma_semaphore, #tpu.memory_space<semaphore_mem>>
      %dma_start3A = arith.constant 0 : i32
      %dma_start3A_56 = tpu.memref_slice %arg5[%arg0, %add3A_34, %dma_start3A] : memref<2x10000x128xf32, #tpu.memory_space<hbm>> -> memref<1x128x128xf32, #tpu.memory_space<hbm>>
      %dma_start3A_57 = tpu.memref_squeeze %dma_start3A_56 : memref<1x128x128xf32, #tpu.memory_space<hbm>> -> memref<128x128xf32, #tpu.memory_space<hbm>>
      %dma_start3A_58 = arith.constant 0 : i32
      %dma_start3A_59 = tpu.memref_slice %arg10[%add3A_32, %dma_start3A_58] : memref<10000x128xf32, #tpu.memory_space<vmem_shared>> -> memref<128x128xf32, #tpu.memory_space<vmem_shared>>
      tpu.enqueue_dma source(%dma_start3A_59 : memref<128x128xf32, #tpu.memory_space<vmem_shared>>) target(%dma_start3A_57 : memref<128x128xf32, #tpu.memory_space<hbm>>) target_semaphore(%run_scoped3A : memref<!tpu.dma_semaphore, #tpu.memory_space<semaphore_mem>>)
      %dma_wait3A = arith.constant 0 : i32
      %dma_wait3A_60 = tpu.memref_slice %arg5[%arg0, %add3A_34, %dma_wait3A] : memref<2x10000x128xf32, #tpu.memory_space<hbm>> -> memref<1x128x128xf32, #tpu.memory_space<hbm>>
      %dma_wait3A_61 = tpu.memref_squeeze %dma_wait3A_60 : memref<1x128x128xf32, #tpu.memory_space<hbm>> -> memref<128x128xf32, #tpu.memory_space<hbm>>
      %dma_wait3A_62 = arith.constant 0 : i32
      %dma_wait3A_63 = tpu.memref_slice %arg10[%add3A_32, %dma_wait3A_62] : memref<10000x128xf32, #tpu.memory_space<vmem_shared>> -> memref<128x128xf32, #tpu.memory_space<vmem_shared>>
      tpu.wait_dma2 semaphore(%run_scoped3A : memref<!tpu.dma_semaphore, #tpu.memory_space<semaphore_mem>>) src(%dma_wait3A_63 : memref<128x128xf32, #tpu.memory_space<vmem_shared>>) dst(%dma_wait3A_61 : memref<128x128xf32, #tpu.memory_space<hbm>>)
      tpu.yield
    }) : () -> ()
    %add3A_35 = arith.constant 128 : i32
    %add3A_36 = arith.addi %multiple_of3A, %add3A_35 : i32
    %add3A_37 = arith.constant 128 : i32
    %add3A_38 = arith.addi %multiple_of3A, %add3A_37 : i32
    "tpu.region"() ({
      %run_scoped3A = tpu.sem_alloc : memref<!tpu.dma_semaphore, #tpu.memory_space<semaphore_mem>>
      %dma_start3A = arith.constant 0 : i32
      %dma_start3A_56 = tpu.memref_slice %arg5[%arg0, %add3A_38, %dma_start3A] : memref<2x10000x128xf32, #tpu.memory_space<hbm>> -> memref<1x128x128xf32, #tpu.memory_space<hbm>>
      %dma_start3A_57 = tpu.memref_squeeze %dma_start3A_56 : memref<1x128x128xf32, #tpu.memory_space<hbm>> -> memref<128x128xf32, #tpu.memory_space<hbm>>
      %dma_start3A_58 = arith.constant 0 : i32
      %dma_start3A_59 = tpu.memref_slice %arg10[%add3A_36, %dma_start3A_58] : memref<10000x128xf32, #tpu.memory_space<vmem_shared>> -> memref<128x128xf32, #tpu.memory_space<vmem_shared>>
      tpu.enqueue_dma source(%dma_start3A_59 : memref<128x128xf32, #tpu.memory_space<vmem_shared>>) target(%dma_start3A_57 : memref<128x128xf32, #tpu.memory_space<hbm>>) target_semaphore(%run_scoped3A : memref<!tpu.dma_semaphore, #tpu.memory_space<semaphore_mem>>)
      %dma_wait3A = arith.constant 0 : i32
      %dma_wait3A_60 = tpu.memref_slice %arg5[%arg0, %add3A_38, %dma_wait3A] : memref<2x10000x128xf32, #tpu.memory_space<hbm>> -> memref<1x128x128xf32, #tpu.memory_space<hbm>>
      %dma_wait3A_61 = tpu.memref_squeeze %dma_wait3A_60 : memref<1x128x128xf32, #tpu.memory_space<hbm>> -> memref<128x128xf32, #tpu.memory_space<hbm>>
      %dma_wait3A_62 = arith.constant 0 : i32
      %dma_wait3A_63 = tpu.memref_slice %arg10[%add3A_36, %dma_wait3A_62] : memref<10000x128xf32, #tpu.memory_space<vmem_shared>> -> memref<128x128xf32, #tpu.memory_space<vmem_shared>>
      tpu.wait_dma2 semaphore(%run_scoped3A : memref<!tpu.dma_semaphore, #tpu.memory_space<semaphore_mem>>) src(%dma_wait3A_63 : memref<128x128xf32, #tpu.memory_space<vmem_shared>>) dst(%dma_wait3A_61 : memref<128x128xf32, #tpu.memory_space<hbm>>)
      tpu.yield
    }) : () -> ()
    %add3A_39 = arith.constant 256 : i32
    %add3A_40 = arith.addi %multiple_of3A, %add3A_39 : i32
    %add3A_41 = arith.constant 256 : i32
    %add3A_42 = arith.addi %multiple_of3A, %add3A_41 : i32
    "tpu.region"() ({
      %run_scoped3A = tpu.sem_alloc : memref<!tpu.dma_semaphore, #tpu.memory_space<semaphore_mem>>
      %dma_start3A = arith.constant 0 : i32
      %dma_start3A_56 = tpu.memref_slice %arg5[%arg0, %add3A_42, %dma_start3A] : memref<2x10000x128xf32, #tpu.memory_space<hbm>> -> memref<1x128x128xf32, #tpu.memory_space<hbm>>
      %dma_start3A_57 = tpu.memref_squeeze %dma_start3A_56 : memref<1x128x128xf32, #tpu.memory_space<hbm>> -> memref<128x128xf32, #tpu.memory_space<hbm>>
      %dma_start3A_58 = arith.constant 0 : i32
      %dma_start3A_59 = tpu.memref_slice %arg10[%add3A_40, %dma_start3A_58] : memref<10000x128xf32, #tpu.memory_space<vmem_shared>> -> memref<128x128xf32, #tpu.memory_space<vmem_shared>>
      tpu.enqueue_dma source(%dma_start3A_59 : memref<128x128xf32, #tpu.memory_space<vmem_shared>>) target(%dma_start3A_57 : memref<128x128xf32, #tpu.memory_space<hbm>>) target_semaphore(%run_scoped3A : memref<!tpu.dma_semaphore, #tpu.memory_space<semaphore_mem>>)
      %dma_wait3A = arith.constant 0 : i32
      %dma_wait3A_60 = tpu.memref_slice %arg5[%arg0, %add3A_42, %dma_wait3A] : memref<2x10000x128xf32, #tpu.memory_space<hbm>> -> memref<1x128x128xf32, #tpu.memory_space<hbm>>
      %dma_wait3A_61 = tpu.memref_squeeze %dma_wait3A_60 : memref<1x128x128xf32, #tpu.memory_space<hbm>> -> memref<128x128xf32, #tpu.memory_space<hbm>>
      %dma_wait3A_62 = arith.constant 0 : i32
      %dma_wait3A_63 = tpu.memref_slice %arg10[%add3A_40, %dma_wait3A_62] : memref<10000x128xf32, #tpu.memory_space<vmem_shared>> -> memref<128x128xf32, #tpu.memory_space<vmem_shared>>
      tpu.wait_dma2 semaphore(%run_scoped3A : memref<!tpu.dma_semaphore, #tpu.memory_space<semaphore_mem>>) src(%dma_wait3A_63 : memref<128x128xf32, #tpu.memory_space<vmem_shared>>) dst(%dma_wait3A_61 : memref<128x128xf32, #tpu.memory_space<hbm>>)
      tpu.yield
    }) : () -> ()
    %add3A_43 = arith.constant 384 : i32
    %add3A_44 = arith.addi %multiple_of3A, %add3A_43 : i32
    %add3A_45 = arith.constant 384 : i32
    %add3A_46 = arith.addi %multiple_of3A, %add3A_45 : i32
    "tpu.region"() ({
      %run_scoped3A = tpu.sem_alloc : memref<!tpu.dma_semaphore, #tpu.memory_space<semaphore_mem>>
      %dma_start3A = arith.constant 0 : i32
      %dma_start3A_56 = tpu.memref_slice %arg5[%arg0, %add3A_46, %dma_start3A] : memref<2x10000x128xf32, #tpu.memory_space<hbm>> -> memref<1x128x128xf32, #tpu.memory_space<hbm>>
      %dma_start3A_57 = tpu.memref_squeeze %dma_start3A_56 : memref<1x128x128xf32, #tpu.memory_space<hbm>> -> memref<128x128xf32, #tpu.memory_space<hbm>>
      %dma_start3A_58 = arith.constant 0 : i32
      %dma_start3A_59 = tpu.memref_slice %arg10[%add3A_44, %dma_start3A_58] : memref<10000x128xf32, #tpu.memory_space<vmem_shared>> -> memref<128x128xf32, #tpu.memory_space<vmem_shared>>
      tpu.enqueue_dma source(%dma_start3A_59 : memref<128x128xf32, #tpu.memory_space<vmem_shared>>) target(%dma_start3A_57 : memref<128x128xf32, #tpu.memory_space<hbm>>) target_semaphore(%run_scoped3A : memref<!tpu.dma_semaphore, #tpu.memory_space<semaphore_mem>>)
      %dma_wait3A = arith.constant 0 : i32
      %dma_wait3A_60 = tpu.memref_slice %arg5[%arg0, %add3A_46, %dma_wait3A] : memref<2x10000x128xf32, #tpu.memory_space<hbm>> -> memref<1x128x128xf32, #tpu.memory_space<hbm>>
      %dma_wait3A_61 = tpu.memref_squeeze %dma_wait3A_60 : memref<1x128x128xf32, #tpu.memory_space<hbm>> -> memref<128x128xf32, #tpu.memory_space<hbm>>
      %dma_wait3A_62 = arith.constant 0 : i32
      %dma_wait3A_63 = tpu.memref_slice %arg10[%add3A_44, %dma_wait3A_62] : memref<10000x128xf32, #tpu.memory_space<vmem_shared>> -> memref<128x128xf32, #tpu.memory_space<vmem_shared>>
      tpu.wait_dma2 semaphore(%run_scoped3A : memref<!tpu.dma_semaphore, #tpu.memory_space<semaphore_mem>>) src(%dma_wait3A_63 : memref<128x128xf32, #tpu.memory_space<vmem_shared>>) dst(%dma_wait3A_61 : memref<128x128xf32, #tpu.memory_space<hbm>>)
      tpu.yield
    }) : () -> ()
    %add3A_47 = arith.constant 512 : i32
    %add3A_48 = arith.addi %multiple_of3A, %add3A_47 : i32
    %add3A_49 = arith.constant 512 : i32
    %add3A_50 = arith.addi %multiple_of3A, %add3A_49 : i32
    "tpu.region"() ({
      %run_scoped3A = tpu.sem_alloc : memref<!tpu.dma_semaphore, #tpu.memory_space<semaphore_mem>>
      %dma_start3A = arith.constant 0 : i32
      %dma_start3A_56 = tpu.memref_slice %arg5[%arg0, %add3A_50, %dma_start3A] : memref<2x10000x128xf32, #tpu.memory_space<hbm>> -> memref<1x112x128xf32, #tpu.memory_space<hbm>>
      %dma_start3A_57 = tpu.memref_squeeze %dma_start3A_56 : memref<1x112x128xf32, #tpu.memory_space<hbm>> -> memref<112x128xf32, #tpu.memory_space<hbm>>
      %dma_start3A_58 = arith.constant 0 : i32
      %dma_start3A_59 = tpu.memref_slice %arg10[%add3A_48, %dma_start3A_58] : memref<10000x128xf32, #tpu.memory_space<vmem_shared>> -> memref<112x128xf32, #tpu.memory_space<vmem_shared>>
      tpu.enqueue_dma source(%dma_start3A_59 : memref<112x128xf32, #tpu.memory_space<vmem_shared>>) target(%dma_start3A_57 : memref<112x128xf32, #tpu.memory_space<hbm>>) target_semaphore(%run_scoped3A : memref<!tpu.dma_semaphore, #tpu.memory_space<semaphore_mem>>)
      %dma_wait3A = arith.constant 0 : i32
      %dma_wait3A_60 = tpu.memref_slice %arg5[%arg0, %add3A_50, %dma_wait3A] : memref<2x10000x128xf32, #tpu.memory_space<hbm>> -> memref<1x112x128xf32, #tpu.memory_space<hbm>>
      %dma_wait3A_61 = tpu.memref_squeeze %dma_wait3A_60 : memref<1x112x128xf32, #tpu.memory_space<hbm>> -> memref<112x128xf32, #tpu.memory_space<hbm>>
      %dma_wait3A_62 = arith.constant 0 : i32
      %dma_wait3A_63 = tpu.memref_slice %arg10[%add3A_48, %dma_wait3A_62] : memref<10000x128xf32, #tpu.memory_space<vmem_shared>> -> memref<112x128xf32, #tpu.memory_space<vmem_shared>>
      tpu.wait_dma2 semaphore(%run_scoped3A : memref<!tpu.dma_semaphore, #tpu.memory_space<semaphore_mem>>) src(%dma_wait3A_63 : memref<112x128xf32, #tpu.memory_space<vmem_shared>>) dst(%dma_wait3A_61 : memref<112x128xf32, #tpu.memory_space<hbm>>)
      tpu.yield
    }) : () -> ()
    %eq3A_51 = arith.constant 0 : i32
    %eq3A_52 = arith.cmpi eq, %arg1, %eq3A_51 : i32
    %convert_element_type3A_53 = arith.extui %eq3A_52 : i1 to i32
    %cond3A_54 = arith.constant 0 : i32
    %cond3A_55 = arith.cmpi ne, %convert_element_type3A_53, %cond3A_54 : i32
    scf.if %cond3A_55 {
      "tpu.region"() ({
        %run_scoped3A = tpu.sem_alloc : memref<!tpu.dma_semaphore, #tpu.memory_space<semaphore_mem>>
        %dma_start3A = arith.constant 9984 : i32
        %dma_start3A_56 = arith.constant 0 : i32
        %dma_start3A_57 = tpu.memref_slice %arg5[%arg0, %dma_start3A, %dma_start3A_56] : memref<2x10000x128xf32, #tpu.memory_space<hbm>> -> memref<1x16x128xf32, #tpu.memory_space<hbm>>
        %dma_start3A_58 = tpu.memref_squeeze %dma_start3A_57 : memref<1x16x128xf32, #tpu.memory_space<hbm>> -> memref<16x128xf32, #tpu.memory_space<hbm>>
        %dma_start3A_59 = arith.constant 9984 : i32
        %dma_start3A_60 = arith.constant 0 : i32
        %dma_start3A_61 = tpu.memref_slice %arg10[%dma_start3A_59, %dma_start3A_60] : memref<10000x128xf32, #tpu.memory_space<vmem_shared>> -> memref<16x128xf32, #tpu.memory_space<vmem_shared>>
        tpu.enqueue_dma source(%dma_start3A_61 : memref<16x128xf32, #tpu.memory_space<vmem_shared>>) target(%dma_start3A_58 : memref<16x128xf32, #tpu.memory_space<hbm>>) target_semaphore(%run_scoped3A : memref<!tpu.dma_semaphore, #tpu.memory_space<semaphore_mem>>)
        %dma_wait3A = arith.constant 9984 : i32
        %dma_wait3A_62 = arith.constant 0 : i32
        %dma_wait3A_63 = tpu.memref_slice %arg5[%arg0, %dma_wait3A, %dma_wait3A_62] : memref<2x10000x128xf32, #tpu.memory_space<hbm>> -> memref<1x16x128xf32, #tpu.memory_space<hbm>>
        %dma_wait3A_64 = tpu.memref_squeeze %dma_wait3A_63 : memref<1x16x128xf32, #tpu.memory_space<hbm>> -> memref<16x128xf32, #tpu.memory_space<hbm>>
        %dma_wait3A_65 = arith.constant 9984 : i32
        %dma_wait3A_66 = arith.constant 0 : i32
        %dma_wait3A_67 = tpu.memref_slice %arg10[%dma_wait3A_65, %dma_wait3A_66] : memref<10000x128xf32, #tpu.memory_space<vmem_shared>> -> memref<16x128xf32, #tpu.memory_space<vmem_shared>>
        tpu.wait_dma2 semaphore(%run_scoped3A : memref<!tpu.dma_semaphore, #tpu.memory_space<semaphore_mem>>) src(%dma_wait3A_67 : memref<16x128xf32, #tpu.memory_space<vmem_shared>>) dst(%dma_wait3A_64 : memref<16x128xf32, #tpu.memory_space<hbm>>)
        tpu.yield
      }) : () -> ()
    } else {
    }
    return
  }
}

#map = affine_map<(d0, d1) -> (0)>
#map1 = affine_map<(d0, d1) -> (0, 0)>
module attributes {stable_mosaic.version = 14 : i64} {
  func.func @_deg_sc(%arg0: i32, %arg1: i32, %arg2: memref<320000xi32, #tpu.memory_space<hbm>>, %arg3: memref<2x10000xf32, #tpu.memory_space<hbm>>, %arg4: memref<1x80xi32, #tpu.memory_space<vmem>>, %arg5: memref<1x80xf32, #tpu.memory_space<vmem>>, %arg6: memref<1024xf32, #tpu.memory_space<vmem>>, %arg7: memref<10000xf32, #tpu.memory_space<vmem_shared>>) attributes {dimension_semantics = [#tpu.dimension_semantics<core_parallel>, #tpu.dimension_semantics<subcore_parallel>], iteration_bounds = array<i64: 2, 16>, scalar_prefetch = 0 : i64, scratch_operands = 4 : i64, tpu.core_type = #tpu.core_type<sc_vector_subcore>, window_params = [{transform_indices = #map}, {transform_indices = #map1}]} {
    %mul3A = arith.constant 2 : i32
    %mul3A_0 = arith.muli %arg1, %mul3A : i32
    %add3A = arith.addi %mul3A_0, %arg0 : i32
    %scan3A = arith.constant 0 : i32
    %scan3A_1 = arith.constant 0 : i32
    %scan3A_2 = arith.constant 64 : i32
    %scan3A_3 = arith.addi %scan3A_1, %scan3A_2 : i32
    %scan3A_4 = arith.constant 1 : i32
    %scan3A_5 = scf.for %scan3A_62 = %scan3A_1 to %scan3A_3 step %scan3A_4 iter_args(%scan3A_63 = %scan3A) -> (i32)  : i32 {
      %broadcast_in_dim3A_64 = arith.constant 0.000000e+00 : f32
      %broadcast_in_dim3A_65 = vector.broadcast %broadcast_in_dim3A_64 : f32 to vector<16xf32>
      %mul3A_66 = arith.constant 16 : i32
      %mul3A_67 = arith.muli %scan3A_62, %mul3A_66 : i32
      %swap3A_68 = arith.index_cast %mul3A_67 : i32 to index
      %swap3A_69 = tpu.vector_load %arg6[%swap3A_68] {strides = array<i32>} : memref<1024xf32, #tpu.memory_space<vmem>>, vector<16xf32>,
      %swap3A_70 = vector.shape_cast %swap3A_69 : vector<16xf32> to vector<16xf32>
      %swap3A_71 = vector.shape_cast %broadcast_in_dim3A_65 : vector<16xf32> to vector<16xf32>
      tpu.vector_store %arg6[%swap3A_68], %swap3A_71 {strides = array<i32>} : memref<1024xf32, #tpu.memory_space<vmem>>, vector<16xf32>,
      %scan3A_72 = arith.constant 0 : i32
      scf.yield %scan3A_72 : i32
    }
    %scan3A_6 = arith.constant 64 : i32
    %broadcast_in_dim3A = arith.constant 1.000000e+00 : f32
    %broadcast_in_dim3A_7 = vector.broadcast %broadcast_in_dim3A : f32 to vector<16xf32>
    %swap3A = arith.constant 0 : i32
    %swap3A_8 = arith.index_cast %swap3A : i32 to index
    %swap3A_9 = arith.constant 0 : index
    %swap3A_10 = tpu.vector_load %arg5[%swap3A_8, %swap3A_9] {strides = array<i32>} : memref<1x80xf32, #tpu.memory_space<vmem>>, vector<1x16xf32>,
    %swap3A_11 = vector.shape_cast %swap3A_10 : vector<1x16xf32> to vector<16xf32>
    %swap3A_12 = vector.shape_cast %broadcast_in_dim3A_7 : vector<16xf32> to vector<1x16xf32>
    tpu.vector_store %arg5[%swap3A_8, %swap3A_9], %swap3A_12 {strides = array<i32>} : memref<1x80xf32, #tpu.memory_space<vmem>>, vector<1x16xf32>,
    %broadcast_in_dim3A_13 = arith.constant 1.000000e+00 : f32
    %broadcast_in_dim3A_14 = vector.broadcast %broadcast_in_dim3A_13 : f32 to vector<16xf32>
    %swap3A_15 = arith.constant 0 : i32
    %swap3A_16 = arith.index_cast %swap3A_15 : i32 to index
    %swap3A_17 = arith.constant 16 : index
    %swap3A_18 = tpu.vector_load %arg5[%swap3A_16, %swap3A_17] {strides = array<i32>} : memref<1x80xf32, #tpu.memory_space<vmem>>, vector<1x16xf32>,
    %swap3A_19 = vector.shape_cast %swap3A_18 : vector<1x16xf32> to vector<16xf32>
    %swap3A_20 = vector.shape_cast %broadcast_in_dim3A_14 : vector<16xf32> to vector<1x16xf32>
    tpu.vector_store %arg5[%swap3A_16, %swap3A_17], %swap3A_20 {strides = array<i32>} : memref<1x80xf32, #tpu.memory_space<vmem>>, vector<1x16xf32>,
    %broadcast_in_dim3A_21 = arith.constant 1.000000e+00 : f32
    %broadcast_in_dim3A_22 = vector.broadcast %broadcast_in_dim3A_21 : f32 to vector<16xf32>
    %swap3A_23 = arith.constant 0 : i32
    %swap3A_24 = arith.index_cast %swap3A_23 : i32 to index
    %swap3A_25 = arith.constant 32 : index
    %swap3A_26 = tpu.vector_load %arg5[%swap3A_24, %swap3A_25] {strides = array<i32>} : memref<1x80xf32, #tpu.memory_space<vmem>>, vector<1x16xf32>,
    %swap3A_27 = vector.shape_cast %swap3A_26 : vector<1x16xf32> to vector<16xf32>
    %swap3A_28 = vector.shape_cast %broadcast_in_dim3A_22 : vector<16xf32> to vector<1x16xf32>
    tpu.vector_store %arg5[%swap3A_24, %swap3A_25], %swap3A_28 {strides = array<i32>} : memref<1x80xf32, #tpu.memory_space<vmem>>, vector<1x16xf32>,
    %broadcast_in_dim3A_29 = arith.constant 1.000000e+00 : f32
    %broadcast_in_dim3A_30 = vector.broadcast %broadcast_in_dim3A_29 : f32 to vector<16xf32>
    %swap3A_31 = arith.constant 0 : i32
    %swap3A_32 = arith.index_cast %swap3A_31 : i32 to index
    %swap3A_33 = arith.constant 48 : index
    %swap3A_34 = tpu.vector_load %arg5[%swap3A_32, %swap3A_33] {strides = array<i32>} : memref<1x80xf32, #tpu.memory_space<vmem>>, vector<1x16xf32>,
    %swap3A_35 = vector.shape_cast %swap3A_34 : vector<1x16xf32> to vector<16xf32>
    %swap3A_36 = vector.shape_cast %broadcast_in_dim3A_30 : vector<16xf32> to vector<1x16xf32>
    tpu.vector_store %arg5[%swap3A_32, %swap3A_33], %swap3A_36 {strides = array<i32>} : memref<1x80xf32, #tpu.memory_space<vmem>>, vector<1x16xf32>,
    %broadcast_in_dim3A_37 = arith.constant 1.000000e+00 : f32
    %broadcast_in_dim3A_38 = vector.broadcast %broadcast_in_dim3A_37 : f32 to vector<16xf32>
    %swap3A_39 = arith.constant 0 : i32
    %swap3A_40 = arith.index_cast %swap3A_39 : i32 to index
    %swap3A_41 = arith.constant 64 : index
    %swap3A_42 = tpu.vector_load %arg5[%swap3A_40, %swap3A_41] {strides = array<i32>} : memref<1x80xf32, #tpu.memory_space<vmem>>, vector<1x16xf32>,
    %swap3A_43 = vector.shape_cast %swap3A_42 : vector<1x16xf32> to vector<16xf32>
    %swap3A_44 = vector.shape_cast %broadcast_in_dim3A_38 : vector<16xf32> to vector<1x16xf32>
    tpu.vector_store %arg5[%swap3A_40, %swap3A_41], %swap3A_44 {strides = array<i32>} : memref<1x80xf32, #tpu.memory_space<vmem>>, vector<1x16xf32>,
    %eq3A = arith.constant 0 : i32
    %eq3A_45 = arith.cmpi eq, %arg1, %eq3A : i32
    %convert_element_type3A = arith.extui %eq3A_45 : i1 to i32
    %cond3A = arith.constant 0 : i32
    %cond3A_46 = arith.cmpi ne, %convert_element_type3A, %cond3A : i32
    scf.if %cond3A_46 {
      %scan3A_62 = arith.constant 0 : i32
      %scan3A_63 = arith.constant 0 : i32
      %scan3A_64 = arith.constant 9 : i32
      %scan3A_65 = arith.addi %scan3A_63, %scan3A_64 : i32
      %scan3A_66 = arith.constant 1 : i32
      %scan3A_67 = scf.for %scan3A_69 = %scan3A_63 to %scan3A_65 step %scan3A_66 iter_args(%scan3A_70 = %scan3A_62) -> (i32)  : i32 {
        %mul3A_71 = arith.constant 1024 : i32
        %mul3A_72 = arith.muli %scan3A_69, %mul3A_71 : i32
        "tpu.region"() ({
          %run_scoped3A = tpu.sem_alloc : memref<!tpu.dma_semaphore, #tpu.memory_space<semaphore_mem>>
          %dma_start3A = tpu.memref_slice %arg7[%mul3A_72] : memref<10000xf32, #tpu.memory_space<vmem_shared>> -> memref<1024xf32, #tpu.memory_space<vmem_shared>>
          %dma_start3A_74 = tpu.memref_slice %arg7[%mul3A_72] : memref<10000xf32, #tpu.memory_space<vmem_shared>> -> memref<1024xf32, #tpu.memory_space<vmem_shared>>
          tpu.enqueue_dma source(%arg6 : memref<1024xf32, #tpu.memory_space<vmem>>) target(%dma_start3A_74 : memref<1024xf32, #tpu.memory_space<vmem_shared>>) target_semaphore(%run_scoped3A : memref<!tpu.dma_semaphore, #tpu.memory_space<semaphore_mem>>)
          %dma_wait3A = tpu.memref_slice %arg7[%mul3A_72] : memref<10000xf32, #tpu.memory_space<vmem_shared>> -> memref<1024xf32, #tpu.memory_space<vmem_shared>>
          %dma_wait3A_75 = tpu.memref_slice %arg7[%mul3A_72] : memref<10000xf32, #tpu.memory_space<vmem_shared>> -> memref<1024xf32, #tpu.memory_space<vmem_shared>>
          tpu.wait_dma2 semaphore(%run_scoped3A : memref<!tpu.dma_semaphore, #tpu.memory_space<semaphore_mem>>) src(%arg6 : memref<1024xf32, #tpu.memory_space<vmem>>) dst(%dma_wait3A_75 : memref<1024xf32, #tpu.memory_space<vmem_shared>>)
          tpu.yield
        }) : () -> ()
        %scan3A_73 = arith.constant 0 : i32
        scf.yield %scan3A_73 : i32
      }
      %scan3A_68 = arith.constant 9 : i32
      "tpu.region"() ({
        %run_scoped3A = tpu.sem_alloc : memref<!tpu.dma_semaphore, #tpu.memory_space<semaphore_mem>>
        %dma_start3A = arith.constant 0 : i32
        %dma_start3A_69 = tpu.memref_slice %arg6[%dma_start3A] : memref<1024xf32, #tpu.memory_space<vmem>> -> memref<784xf32, #tpu.memory_space<vmem>>
        %dma_start3A_70 = arith.constant 9216 : i32
        %dma_start3A_71 = tpu.memref_slice %arg7[%dma_start3A_70] : memref<10000xf32, #tpu.memory_space<vmem_shared>> -> memref<784xf32, #tpu.memory_space<vmem_shared>>
        %dma_start3A_72 = arith.constant 9216 : i32
        %dma_start3A_73 = tpu.memref_slice %arg7[%dma_start3A_72] : memref<10000xf32, #tpu.memory_space<vmem_shared>> -> memref<784xf32, #tpu.memory_space<vmem_shared>>
        %dma_start3A_74 = arith.constant 0 : i32
        %dma_start3A_75 = tpu.memref_slice %arg6[%dma_start3A_74] : memref<1024xf32, #tpu.memory_space<vmem>> -> memref<784xf32, #tpu.memory_space<vmem>>
        tpu.enqueue_dma source(%dma_start3A_75 : memref<784xf32, #tpu.memory_space<vmem>>) target(%dma_start3A_73 : memref<784xf32, #tpu.memory_space<vmem_shared>>) target_semaphore(%run_scoped3A : memref<!tpu.dma_semaphore, #tpu.memory_space<semaphore_mem>>)
        %dma_wait3A = arith.constant 0 : i32
        %dma_wait3A_76 = tpu.memref_slice %arg6[%dma_wait3A] : memref<1024xf32, #tpu.memory_space<vmem>> -> memref<784xf32, #tpu.memory_space<vmem>>
        %dma_wait3A_77 = arith.constant 9216 : i32
        %dma_wait3A_78 = tpu.memref_slice %arg7[%dma_wait3A_77] : memref<10000xf32, #tpu.memory_space<vmem_shared>> -> memref<784xf32, #tpu.memory_space<vmem_shared>>
        %dma_wait3A_79 = arith.constant 9216 : i32
        %dma_wait3A_80 = tpu.memref_slice %arg7[%dma_wait3A_79] : memref<10000xf32, #tpu.memory_space<vmem_shared>> -> memref<784xf32, #tpu.memory_space<vmem_shared>>
        %dma_wait3A_81 = arith.constant 0 : i32
        %dma_wait3A_82 = tpu.memref_slice %arg6[%dma_wait3A_81] : memref<1024xf32, #tpu.memory_space<vmem>> -> memref<784xf32, #tpu.memory_space<vmem>>
        tpu.wait_dma2 semaphore(%run_scoped3A : memref<!tpu.dma_semaphore, #tpu.memory_space<semaphore_mem>>) src(%dma_wait3A_82 : memref<784xf32, #tpu.memory_space<vmem>>) dst(%dma_wait3A_80 : memref<784xf32, #tpu.memory_space<vmem_shared>>)
        tpu.yield
      }) : () -> ()
    } else {
    }
    %barrier3A = arith.constant 0 : index
    tpu.barrier barrier_id(%barrier3A)
    %mul3A_47 = arith.constant 10000 : i32
    %mul3A_48 = arith.muli %add3A, %mul3A_47 : i32
    %scan3A_49 = arith.constant 0 : i32
    %scan3A_50 = arith.constant 0 : i32
    %scan3A_51 = arith.constant 125 : i32
    %scan3A_52 = arith.addi %scan3A_50, %scan3A_51 : i32
    %scan3A_53 = arith.constant 1 : i32
    %scan3A_54 = scf.for %scan3A_62 = %scan3A_50 to %scan3A_52 step %scan3A_53 iter_args(%scan3A_63 = %scan3A_49) -> (i32)  : i32 {
      %mul3A_64 = arith.constant 80 : i32
      %mul3A_65 = arith.muli %scan3A_62, %mul3A_64 : i32
      %add3A_66 = arith.addi %mul3A_48, %mul3A_65 : i32
      %run_scoped3A = arith.constant 0 : i32
      "tpu.region"() ({
        %run_scoped3A_70 = tpu.sem_alloc : memref<!tpu.dma_semaphore, #tpu.memory_space<semaphore_mem>>
        %dma_start3A = arith.constant 0 : i32
        %dma_start3A_71 = tpu.memref_slice %arg4[%run_scoped3A, %dma_start3A] : memref<1x80xi32, #tpu.memory_space<vmem>> -> memref<1x80xi32, #tpu.memory_space<vmem>>
        %dma_start3A_72 = tpu.memref_squeeze %dma_start3A_71 : memref<1x80xi32, #tpu.memory_space<vmem>> -> memref<80xi32, #tpu.memory_space<vmem>>
        %dma_start3A_73 = tpu.memref_slice %arg2[%add3A_66] : memref<320000xi32, #tpu.memory_space<hbm>> -> memref<80xi32, #tpu.memory_space<hbm>>
        %dma_start3A_74 = arith.constant 0 : i32
        %dma_start3A_75 = tpu.memref_slice %arg4[%run_scoped3A, %dma_start3A_74] : memref<1x80xi32, #tpu.memory_space<vmem>> -> memref<1x80xi32, #tpu.memory_space<vmem>>
        %dma_start3A_76 = tpu.memref_squeeze %dma_start3A_75 : memref<1x80xi32, #tpu.memory_space<vmem>> -> memref<80xi32, #tpu.memory_space<vmem>>
        %dma_start3A_77 = tpu.memref_slice %arg2[%add3A_66] : memref<320000xi32, #tpu.memory_space<hbm>> -> memref<80xi32, #tpu.memory_space<hbm>>
        tpu.enqueue_dma source(%dma_start3A_77 : memref<80xi32, #tpu.memory_space<hbm>>) target(%dma_start3A_76 : memref<80xi32, #tpu.memory_space<vmem>>) target_semaphore(%run_scoped3A_70 : memref<!tpu.dma_semaphore, #tpu.memory_space<semaphore_mem>>)
        %dma_wait3A = arith.constant 0 : i32
        %dma_wait3A_78 = tpu.memref_slice %arg4[%run_scoped3A, %dma_wait3A] : memref<1x80xi32, #tpu.memory_space<vmem>> -> memref<1x80xi32, #tpu.memory_space<vmem>>
        %dma_wait3A_79 = tpu.memref_squeeze %dma_wait3A_78 : memref<1x80xi32, #tpu.memory_space<vmem>> -> memref<80xi32, #tpu.memory_space<vmem>>
        %dma_wait3A_80 = tpu.memref_slice %arg2[%add3A_66] : memref<320000xi32, #tpu.memory_space<hbm>> -> memref<80xi32, #tpu.memory_space<hbm>>
        %dma_wait3A_81 = arith.constant 0 : i32
        %dma_wait3A_82 = tpu.memref_slice %arg4[%run_scoped3A, %dma_wait3A_81] : memref<1x80xi32, #tpu.memory_space<vmem>> -> memref<1x80xi32, #tpu.memory_space<vmem>>
        %dma_wait3A_83 = tpu.memref_squeeze %dma_wait3A_82 : memref<1x80xi32, #tpu.memory_space<vmem>> -> memref<80xi32, #tpu.memory_space<vmem>>
        %dma_wait3A_84 = tpu.memref_slice %arg2[%add3A_66] : memref<320000xi32, #tpu.memory_space<hbm>> -> memref<80xi32, #tpu.memory_space<hbm>>
        tpu.wait_dma2 semaphore(%run_scoped3A_70 : memref<!tpu.dma_semaphore, #tpu.memory_space<semaphore_mem>>) src(%dma_wait3A_84 : memref<80xi32, #tpu.memory_space<hbm>>) dst(%dma_wait3A_83 : memref<80xi32, #tpu.memory_space<vmem>>)
        tpu.yield
      }) : () -> ()
      %run_scoped3A_67 = arith.constant 0 : i32
      %run_scoped3A_68 = arith.constant 0 : i32
      "tpu.region"() ({
        %run_scoped3A_70 = tpu.sem_alloc : memref<!tpu.dma_semaphore, #tpu.memory_space<semaphore_mem>>
        %dma_start3A = arith.constant 0 : i32
        %dma_start3A_71 = tpu.memref_slice %arg5[%run_scoped3A_67, %dma_start3A] : memref<1x80xf32, #tpu.memory_space<vmem>> -> memref<1x80xf32, #tpu.memory_space<vmem>>
        %dma_start3A_72 = tpu.memref_squeeze %dma_start3A_71 : memref<1x80xf32, #tpu.memory_space<vmem>> -> memref<80xf32, #tpu.memory_space<vmem>>
        %dma_start3A_73 = arith.constant 0 : i32
        %dma_start3A_74 = tpu.memref_slice %arg4[%run_scoped3A_68, %dma_start3A_73] : memref<1x80xi32, #tpu.memory_space<vmem>> -> memref<1x80xi32, #tpu.memory_space<vmem>>
        %dma_start3A_75 = tpu.memref_squeeze %dma_start3A_74 : memref<1x80xi32, #tpu.memory_space<vmem>> -> memref<80xi32, #tpu.memory_space<vmem>>
        %dma_start3A_76 = arith.constant 0 : i32
        %dma_start3A_77 = tpu.memref_slice %arg7[%dma_start3A_76] : memref<10000xf32, #tpu.memory_space<vmem_shared>> -> memref<10000xf32, #tpu.memory_space<vmem_shared>>
        tpu.enqueue_indirect_dma source(%dma_start3A_72 : memref<80xf32, #tpu.memory_space<vmem>>) target(%dma_start3A_77 : memref<10000xf32, #tpu.memory_space<vmem_shared>>) offsets(%dma_start3A_75 : memref<80xi32, #tpu.memory_space<vmem>>) semaphore(%run_scoped3A_70 : memref<!tpu.dma_semaphore, #tpu.memory_space<semaphore_mem>>) {add = true}
        %dma_wait3A = arith.constant 0 : i32
        %dma_wait3A_78 = tpu.memref_slice %arg5[%run_scoped3A_67, %dma_wait3A] : memref<1x80xf32, #tpu.memory_space<vmem>> -> memref<1x80xf32, #tpu.memory_space<vmem>>
        %dma_wait3A_79 = tpu.memref_squeeze %dma_wait3A_78 : memref<1x80xf32, #tpu.memory_space<vmem>> -> memref<80xf32, #tpu.memory_space<vmem>>
        %dma_wait3A_80 = arith.constant 0 : i32
        %dma_wait3A_81 = tpu.memref_slice %arg4[%run_scoped3A_68, %dma_wait3A_80] : memref<1x80xi32, #tpu.memory_space<vmem>> -> memref<1x80xi32, #tpu.memory_space<vmem>>
        %dma_wait3A_82 = tpu.memref_squeeze %dma_wait3A_81 : memref<1x80xi32, #tpu.memory_space<vmem>> -> memref<80xi32, #tpu.memory_space<vmem>>
        %dma_wait3A_83 = arith.constant 0 : i32
        %dma_wait3A_84 = tpu.memref_slice %arg7[%dma_wait3A_83] : memref<10000xf32, #tpu.memory_space<vmem_shared>> -> memref<10000xf32, #tpu.memory_space<vmem_shared>>
        tpu.wait_indirect_dma semaphore(%run_scoped3A_70 : memref<!tpu.dma_semaphore, #tpu.memory_space<semaphore_mem>>) src(%dma_wait3A_79 : memref<80xf32, #tpu.memory_space<vmem>>) dst(%dma_wait3A_84 : memref<10000xf32, #tpu.memory_space<vmem_shared>>)
        tpu.yield
      }) : () -> ()
      %scan3A_69 = arith.constant 0 : i32
      scf.yield %scan3A_69 : i32
    }
    %scan3A_55 = arith.constant 125 : i32
    %barrier3A_56 = arith.constant 0 : index
    tpu.barrier barrier_id(%barrier3A_56)
    %eq3A_57 = arith.constant 0 : i32
    %eq3A_58 = arith.cmpi eq, %arg1, %eq3A_57 : i32
    %convert_element_type3A_59 = arith.extui %eq3A_58 : i1 to i32
    %cond3A_60 = arith.constant 0 : i32
    %cond3A_61 = arith.cmpi ne, %convert_element_type3A_59, %cond3A_60 : i32
    scf.if %cond3A_61 {
      "tpu.region"() ({
        %run_scoped3A = tpu.sem_alloc : memref<!tpu.dma_semaphore, #tpu.memory_space<semaphore_mem>>
        %dma_start3A = arith.constant 0 : i32
        %dma_start3A_62 = tpu.memref_slice %arg3[%arg0, %dma_start3A] : memref<2x10000xf32, #tpu.memory_space<hbm>> -> memref<1x10000xf32, #tpu.memory_space<hbm>>
        %dma_start3A_63 = tpu.memref_squeeze %dma_start3A_62 : memref<1x10000xf32, #tpu.memory_space<hbm>> -> memref<10000xf32, #tpu.memory_space<hbm>>
        tpu.enqueue_dma source(%arg7 : memref<10000xf32, #tpu.memory_space<vmem_shared>>) target(%dma_start3A_63 : memref<10000xf32, #tpu.memory_space<hbm>>) target_semaphore(%run_scoped3A : memref<!tpu.dma_semaphore, #tpu.memory_space<semaphore_mem>>)
        %dma_wait3A = arith.constant 0 : i32
        %dma_wait3A_64 = tpu.memref_slice %arg3[%arg0, %dma_wait3A] : memref<2x10000xf32, #tpu.memory_space<hbm>> -> memref<1x10000xf32, #tpu.memory_space<hbm>>
        %dma_wait3A_65 = tpu.memref_squeeze %dma_wait3A_64 : memref<1x10000xf32, #tpu.memory_space<hbm>> -> memref<10000xf32, #tpu.memory_space<hbm>>
        tpu.wait_dma2 semaphore(%run_scoped3A : memref<!tpu.dma_semaphore, #tpu.memory_space<semaphore_mem>>) src(%arg7 : memref<10000xf32, #tpu.memory_space<vmem_shared>>) dst(%dma_wait3A_65 : memref<10000xf32, #tpu.memory_space<hbm>>)
        tpu.yield
      }) : () -> ()
    } else {
    }
    return
  }
}

module attributes {stable_mosaic.version = 14 : i64} {
  func.func @_layer2_body(%arg0: i32, %arg1: memref<2000x2xf32, #tpu.memory_space<vmem>>, %arg2: memref<2x2000x128xf32, #tpu.memory_space<vmem>>, %arg3: memref<2000x128xf32, #tpu.memory_space<vmem>>, %arg4: memref<1x128xf32, #tpu.memory_space<vmem>>, %arg5: memref<128x128xf32, #tpu.memory_space<vmem>>, %arg6: memref<2000x128xf32, #tpu.memory_space<vmem>>) attributes {dimension_semantics = [#tpu.dimension_semantics<arbitrary>], iteration_bounds = array<i64: 5>, scalar_prefetch = 0 : i64, scratch_operands = 0 : i64, tpu.core_type = #tpu.core_type<tc>, window_params = [{transform_indices = @transform_0, window_bounds = array<i64: 2000, 2>}, {transform_indices = @transform_1, window_bounds = array<i64: 2, 2000, 128>}, {transform_indices = @transform_2, window_bounds = array<i64: 2000, 128>}, {pipeline_mode = #tpu.pipeline_mode<synchronous>, transform_indices = @transform_3, window_bounds = array<i64: 1, 128>}, {pipeline_mode = #tpu.pipeline_mode<synchronous>, transform_indices = @transform_4, window_bounds = array<i64: 128, 128>}, {transform_indices = @transform_5, window_bounds = array<i64: 2000, 128>}]} {
    %get3A = arith.constant 0 : index
    %get3A_0 = arith.constant 0 : index
    %get3A_1 = vector.load %arg1[%get3A, %get3A_0] : memref<2000x2xf32, #tpu.memory_space<vmem>>, vector<2000x1xf32>
    %get3A_2 = arith.constant 0 : index
    %get3A_3 = arith.constant 1 : index
    %get3A_4 = vector.load %arg1[%get3A_2, %get3A_3] : memref<2000x2xf32, #tpu.memory_space<vmem>>, vector<2000x1xf32>
    %add3A = arith.addf %get3A_1, %get3A_4 : vector<2000x1xf32>
    %add3A_5 = arith.constant 1.000000e+00 : f32
    %add3A_6 = vector.broadcast %add3A_5 : f32 to vector<2000x1xf32>
    %add3A_7 = arith.addf %add3A, %add3A_6 : vector<2000x1xf32>
    %rsqrt3A = math.rsqrt %add3A_7 : vector<2000x1xf32>
    %get3A_8 = arith.constant 0 : index
    %get3A_9 = arith.constant 0 : index
    %get3A_10 = arith.constant 0 : index
    %get3A_11 = vector.load %arg2[%get3A_8, %get3A_9, %get3A_10] : memref<2x2000x128xf32, #tpu.memory_space<vmem>>, vector<1x2000x128xf32>
    %get3A_12 = vector.shape_cast %get3A_11 : vector<1x2000x128xf32> to vector<2000x128xf32>
    %get3A_13 = arith.constant 1 : index
    %get3A_14 = arith.constant 0 : index
    %get3A_15 = arith.constant 0 : index
    %get3A_16 = vector.load %arg2[%get3A_13, %get3A_14, %get3A_15] : memref<2x2000x128xf32, #tpu.memory_space<vmem>>, vector<1x2000x128xf32>
    %get3A_17 = vector.shape_cast %get3A_16 : vector<1x2000x128xf32> to vector<2000x128xf32>
    %add3A_18 = arith.addf %get3A_12, %get3A_17 : vector<2000x128xf32>
    %get3A_19 = arith.constant 0 : index
    %get3A_20 = arith.constant 0 : index
    %get3A_21 = vector.load %arg3[%get3A_19, %get3A_20] : memref<2000x128xf32, #tpu.memory_space<vmem>>, vector<2000x128xf32>
    %add3A_22 = arith.addf %add3A_18, %get3A_21 : vector<2000x128xf32>
    %mul3A = vector.broadcast %rsqrt3A : vector<2000x1xf32> to vector<2000x128xf32>
    %mul3A_23 = arith.mulf %mul3A, %add3A_22 : vector<2000x128xf32>
    %get3A_24 = arith.constant 0 : index
    %get3A_25 = arith.constant 0 : index
    %get3A_26 = vector.load %arg4[%get3A_24, %get3A_25] : memref<1x128xf32, #tpu.memory_space<vmem>>, vector<1x128xf32>
    %add3A_27 = vector.broadcast %get3A_26 : vector<1x128xf32> to vector<2000x128xf32>
    %add3A_28 = arith.addf %mul3A_23, %add3A_27 : vector<2000x128xf32>
    %max3A = arith.constant 0.000000e+00 : f32
    %max3A_29 = vector.broadcast %max3A : f32 to vector<2000x128xf32>
    %max3A_30 = arith.maximumf %add3A_28, %max3A_29 : vector<2000x128xf32>
    %get3A_31 = arith.constant 0 : index
    %get3A_32 = arith.constant 0 : index
    %get3A_33 = vector.load %arg5[%get3A_31, %get3A_32] : memref<128x128xf32, #tpu.memory_space<vmem>>, vector<128x128xf32>
    %dot_general3A = arith.constant dense<0.000000e+00> : vector<2000x128xf32>
    %dot_general3A_34 = tpu.matmul %max3A_30, %get3A_33, %dot_general3A {dimension_numbers = #tpu.dot_dimension_numbers<[1], [0], [0], [1], [0, 0, 1, 1], [], []>, transpose_lhs_hint = false} : vector<2000x128xf32>, vector<128x128xf32>, vector<2000x128xf32> -> vector<2000x128xf32>
    %mul3A_35 = vector.broadcast %rsqrt3A : vector<2000x1xf32> to vector<2000x128xf32>
    %mul3A_36 = arith.mulf %dot_general3A_34, %mul3A_35 : vector<2000x128xf32>
    %swap3A = arith.constant 0 : index
    %swap3A_37 = arith.constant 0 : index
    %swap3A_38 = vector.load %arg6[%swap3A, %swap3A_37] : memref<2000x128xf32, #tpu.memory_space<vmem>>, vector<2000x128xf32>
    tpu.vector_store %arg6[%swap3A, %swap3A_37], %mul3A_36 {strides = array<i32>} : memref<2000x128xf32, #tpu.memory_space<vmem>>, vector<2000x128xf32>,
    return
  }
  func.func @transform_0(%arg0: i32) -> (i32, i32) {
    %c0_i32 = arith.constant 0 : i32
    %c0_i32_0 = arith.constant 0 : i32
    return %arg0, %c0_i32 : i32, i32
  }
  func.func @transform_1(%arg0: i32) -> (i32, i32, i32) {
    %c0_i32 = arith.constant 0 : i32
    %c0_i32_0 = arith.constant 0 : i32
    %c0_i32_1 = arith.constant 0 : i32
    return %c0_i32, %arg0, %c0_i32_0 : i32, i32, i32
  }
  func.func @transform_2(%arg0: i32) -> (i32, i32) {
    %c0_i32 = arith.constant 0 : i32
    %c0_i32_0 = arith.constant 0 : i32
    return %arg0, %c0_i32 : i32, i32
  }
  func.func @transform_3(%arg0: i32) -> (i32, i32) {
    %c0_i32 = arith.constant 0 : i32
    %c0_i32_0 = arith.constant 0 : i32
    %c0_i32_1 = arith.constant 0 : i32
    return %c0_i32, %c0_i32_0 : i32, i32
  }
  func.func @transform_4(%arg0: i32) -> (i32, i32) {
    %c0_i32 = arith.constant 0 : i32
    %c0_i32_0 = arith.constant 0 : i32
    %c0_i32_1 = arith.constant 0 : i32
    return %c0_i32, %c0_i32_0 : i32, i32
  }
  func.func @transform_5(%arg0: i32) -> (i32, i32) {
    %c0_i32 = arith.constant 0 : i32
    %c0_i32_0 = arith.constant 0 : i32
    return %arg0, %c0_i32 : i32, i32
  }
}

module attributes {stable_mosaic.version = 14 : i64} {
  func.func @_prescale1_body(%arg0: i32, %arg1: memref<2000x2xf32, #tpu.memory_space<vmem>>, %arg2: memref<2000x128xf32, #tpu.memory_space<vmem>>, %arg3: memref<128x128xf32, #tpu.memory_space<vmem>>, %arg4: memref<2000x128xf32, #tpu.memory_space<vmem>>) attributes {dimension_semantics = [#tpu.dimension_semantics<arbitrary>], iteration_bounds = array<i64: 5>, scalar_prefetch = 0 : i64, scratch_operands = 0 : i64, tpu.core_type = #tpu.core_type<tc>, window_params = [{transform_indices = @transform_0, window_bounds = array<i64: 2000, 2>}, {transform_indices = @transform_1, window_bounds = array<i64: 2000, 128>}, {pipeline_mode = #tpu.pipeline_mode<synchronous>, transform_indices = @transform_2, window_bounds = array<i64: 128, 128>}, {transform_indices = @transform_3, window_bounds = array<i64: 2000, 128>}]} {
    %get3A = arith.constant 0 : index
    %get3A_0 = arith.constant 0 : index
    %get3A_1 = vector.load %arg2[%get3A, %get3A_0] : memref<2000x128xf32, #tpu.memory_space<vmem>>, vector<2000x128xf32>
    %get3A_2 = arith.constant 0 : index
    %get3A_3 = arith.constant 0 : index
    %get3A_4 = vector.load %arg3[%get3A_2, %get3A_3] : memref<128x128xf32, #tpu.memory_space<vmem>>, vector<128x128xf32>
    %dot_general3A = arith.constant dense<0.000000e+00> : vector<2000x128xf32>
    %dot_general3A_5 = tpu.matmul %get3A_1, %get3A_4, %dot_general3A {dimension_numbers = #tpu.dot_dimension_numbers<[1], [0], [0], [1], [0, 0, 1, 1], [], []>, transpose_lhs_hint = false} : vector<2000x128xf32>, vector<128x128xf32>, vector<2000x128xf32> -> vector<2000x128xf32>
    %get3A_6 = arith.constant 0 : index
    %get3A_7 = arith.constant 0 : index
    %get3A_8 = vector.load %arg1[%get3A_6, %get3A_7] : memref<2000x2xf32, #tpu.memory_space<vmem>>, vector<2000x1xf32>
    %get3A_9 = arith.constant 0 : index
    %get3A_10 = arith.constant 1 : index
    %get3A_11 = vector.load %arg1[%get3A_9, %get3A_10] : memref<2000x2xf32, #tpu.memory_space<vmem>>, vector<2000x1xf32>
    %add3A = arith.addf %get3A_8, %get3A_11 : vector<2000x1xf32>
    %add3A_12 = arith.constant 1.000000e+00 : f32
    %add3A_13 = vector.broadcast %add3A_12 : f32 to vector<2000x1xf32>
    %add3A_14 = arith.addf %add3A, %add3A_13 : vector<2000x1xf32>
    %rsqrt3A = math.rsqrt %add3A_14 : vector<2000x1xf32>
    %mul3A = vector.broadcast %rsqrt3A : vector<2000x1xf32> to vector<2000x128xf32>
    %mul3A_15 = arith.mulf %dot_general3A_5, %mul3A : vector<2000x128xf32>
    %swap3A = arith.constant 0 : index
    %swap3A_16 = arith.constant 0 : index
    %swap3A_17 = vector.load %arg4[%swap3A, %swap3A_16] : memref<2000x128xf32, #tpu.memory_space<vmem>>, vector<2000x128xf32>
    tpu.vector_store %arg4[%swap3A, %swap3A_16], %mul3A_15 {strides = array<i32>} : memref<2000x128xf32, #tpu.memory_space<vmem>>, vector<2000x128xf32>,
    return
  }
  func.func @transform_0(%arg0: i32) -> (i32, i32) {
    %c0_i32 = arith.constant 0 : i32
    %c0_i32_0 = arith.constant 0 : i32
    return %arg0, %c0_i32 : i32, i32
  }
  func.func @transform_1(%arg0: i32) -> (i32, i32) {
    %c0_i32 = arith.constant 0 : i32
    %c0_i32_0 = arith.constant 0 : i32
    return %arg0, %c0_i32 : i32, i32
  }
  func.func @transform_2(%arg0: i32) -> (i32, i32) {
    %c0_i32 = arith.constant 0 : i32
    %c0_i32_0 = arith.constant 0 : i32
    %c0_i32_1 = arith.constant 0 : i32
    return %c0_i32, %c0_i32_0 : i32, i32
  }
  func.func @transform_3(%arg0: i32) -> (i32, i32) {
    %c0_i32 = arith.constant 0 : i32
    %c0_i32_0 = arith.constant 0 : i32
    return %arg0, %c0_i32 : i32, i32
  }
}

module attributes {stable_mosaic.version = 14 : i64} {
  func.func @_final_body(%arg0: i32, %arg1: memref<2000x2xf32, #tpu.memory_space<vmem>>, %arg2: memref<2x2000x128xf32, #tpu.memory_space<vmem>>, %arg3: memref<2000x128xf32, #tpu.memory_space<vmem>>, %arg4: memref<1x128xf32, #tpu.memory_space<vmem>>, %arg5: memref<128x16xf32, #tpu.memory_space<vmem>>, %arg6: memref<1x16xf32, #tpu.memory_space<vmem>>, %arg7: memref<2000x16xf32, #tpu.memory_space<vmem>>) attributes {dimension_semantics = [#tpu.dimension_semantics<arbitrary>], iteration_bounds = array<i64: 5>, scalar_prefetch = 0 : i64, scratch_operands = 0 : i64, tpu.core_type = #tpu.core_type<tc>, window_params = [{transform_indices = @transform_0, window_bounds = array<i64: 2000, 2>}, {transform_indices = @transform_1, window_bounds = array<i64: 2, 2000, 128>}, {transform_indices = @transform_2, window_bounds = array<i64: 2000, 128>}, {pipeline_mode = #tpu.pipeline_mode<synchronous>, transform_indices = @transform_3, window_bounds = array<i64: 1, 128>}, {pipeline_mode = #tpu.pipeline_mode<synchronous>, transform_indices = @transform_4, window_bounds = array<i64: 128, 16>}, {pipeline_mode = #tpu.pipeline_mode<synchronous>, transform_indices = @transform_5, window_bounds = array<i64: 1, 16>}, {transform_indices = @transform_6, window_bounds = array<i64: 2000, 16>}]} {
    %get3A = arith.constant 0 : index
    %get3A_0 = arith.constant 0 : index
    %get3A_1 = vector.load %arg1[%get3A, %get3A_0] : memref<2000x2xf32, #tpu.memory_space<vmem>>, vector<2000x1xf32>
    %get3A_2 = arith.constant 0 : index
    %get3A_3 = arith.constant 1 : index
    %get3A_4 = vector.load %arg1[%get3A_2, %get3A_3] : memref<2000x2xf32, #tpu.memory_space<vmem>>, vector<2000x1xf32>
    %add3A = arith.addf %get3A_1, %get3A_4 : vector<2000x1xf32>
    %add3A_5 = arith.constant 1.000000e+00 : f32
    %add3A_6 = vector.broadcast %add3A_5 : f32 to vector<2000x1xf32>
    %add3A_7 = arith.addf %add3A, %add3A_6 : vector<2000x1xf32>
    %rsqrt3A = math.rsqrt %add3A_7 : vector<2000x1xf32>
    %get3A_8 = arith.constant 0 : index
    %get3A_9 = arith.constant 0 : index
    %get3A_10 = arith.constant 0 : index
    %get3A_11 = vector.load %arg2[%get3A_8, %get3A_9, %get3A_10] : memref<2x2000x128xf32, #tpu.memory_space<vmem>>, vector<1x2000x128xf32>
    %get3A_12 = vector.shape_cast %get3A_11 : vector<1x2000x128xf32> to vector<2000x128xf32>
    %get3A_13 = arith.constant 1 : index
    %get3A_14 = arith.constant 0 : index
    %get3A_15 = arith.constant 0 : index
    %get3A_16 = vector.load %arg2[%get3A_13, %get3A_14, %get3A_15] : memref<2x2000x128xf32, #tpu.memory_space<vmem>>, vector<1x2000x128xf32>
    %get3A_17 = vector.shape_cast %get3A_16 : vector<1x2000x128xf32> to vector<2000x128xf32>
    %add3A_18 = arith.addf %get3A_12, %get3A_17 : vector<2000x128xf32>
    %get3A_19 = arith.constant 0 : index
    %get3A_20 = arith.constant 0 : index
    %get3A_21 = vector.load %arg3[%get3A_19, %get3A_20] : memref<2000x128xf32, #tpu.memory_space<vmem>>, vector<2000x128xf32>
    %add3A_22 = arith.addf %add3A_18, %get3A_21 : vector<2000x128xf32>
    %mul3A = vector.broadcast %rsqrt3A : vector<2000x1xf32> to vector<2000x128xf32>
    %mul3A_23 = arith.mulf %mul3A, %add3A_22 : vector<2000x128xf32>
    %get3A_24 = arith.constant 0 : index
    %get3A_25 = arith.constant 0 : index
    %get3A_26 = vector.load %arg4[%get3A_24, %get3A_25] : memref<1x128xf32, #tpu.memory_space<vmem>>, vector<1x128xf32>
    %add3A_27 = vector.broadcast %get3A_26 : vector<1x128xf32> to vector<2000x128xf32>
    %add3A_28 = arith.addf %mul3A_23, %add3A_27 : vector<2000x128xf32>
    %max3A = arith.constant 0.000000e+00 : f32
    %max3A_29 = vector.broadcast %max3A : f32 to vector<2000x128xf32>
    %max3A_30 = arith.maximumf %add3A_28, %max3A_29 : vector<2000x128xf32>
    %get3A_31 = arith.constant 0 : index
    %get3A_32 = arith.constant 0 : index
    %get3A_33 = vector.load %arg5[%get3A_31, %get3A_32] : memref<128x16xf32, #tpu.memory_space<vmem>>, vector<128x16xf32>
    %dot_general3A = arith.constant dense<0.000000e+00> : vector<2000x16xf32>
    %dot_general3A_34 = tpu.matmul %max3A_30, %get3A_33, %dot_general3A {dimension_numbers = #tpu.dot_dimension_numbers<[1], [0], [0], [1], [0, 0, 1, 1], [], []>, transpose_lhs_hint = false} : vector<2000x128xf32>, vector<128x16xf32>, vector<2000x16xf32> -> vector<2000x16xf32>
    %get3A_35 = arith.constant 0 : index
    %get3A_36 = arith.constant 0 : index
    %get3A_37 = vector.load %arg6[%get3A_35, %get3A_36] : memref<1x16xf32, #tpu.memory_space<vmem>>, vector<1x16xf32>
    %add3A_38 = vector.broadcast %get3A_37 : vector<1x16xf32> to vector<2000x16xf32>
    %add3A_39 = arith.addf %dot_general3A_34, %add3A_38 : vector<2000x16xf32>
    %reduce_max3A = arith.constant dense<0xFF800000> : vector<2000xf32>
    %reduce_max3A_40 = vector.multi_reduction <maximumf>, %add3A_39, %reduce_max3A [1] : vector<2000x16xf32> to vector<2000xf32>
    %broadcast_in_dim3A = vector.shape_cast %reduce_max3A_40 : vector<2000xf32> to vector<2000x1xf32>
    %sub3A = vector.broadcast %broadcast_in_dim3A : vector<2000x1xf32> to vector<2000x16xf32>
    %sub3A_41 = arith.subf %add3A_39, %sub3A : vector<2000x16xf32>
    %exp3A = math.exp %sub3A_41 : vector<2000x16xf32>
    %reduce_sum3A = arith.constant dense<0.000000e+00> : vector<2000xf32>
    %reduce_sum3A_42 = vector.multi_reduction <add>, %exp3A, %reduce_sum3A [1] : vector<2000x16xf32> to vector<2000xf32>
    %broadcast_in_dim3A_43 = vector.shape_cast %reduce_sum3A_42 : vector<2000xf32> to vector<2000x1xf32>
    %div3A = vector.broadcast %broadcast_in_dim3A_43 : vector<2000x1xf32> to vector<2000x16xf32>
    %div3A_44 = arith.divf %exp3A, %div3A : vector<2000x16xf32>
    %swap3A = arith.constant 0 : index
    %swap3A_45 = arith.constant 0 : index
    %swap3A_46 = vector.load %arg7[%swap3A, %swap3A_45] : memref<2000x16xf32, #tpu.memory_space<vmem>>, vector<2000x16xf32>
    tpu.vector_store %arg7[%swap3A, %swap3A_45], %div3A_44 {strides = array<i32>} : memref<2000x16xf32, #tpu.memory_space<vmem>>, vector<2000x16xf32>,
    return
  }
  func.func @transform_0(%arg0: i32) -> (i32, i32) {
    %c0_i32 = arith.constant 0 : i32
    %c0_i32_0 = arith.constant 0 : i32
    return %arg0, %c0_i32 : i32, i32
  }
  func.func @transform_1(%arg0: i32) -> (i32, i32, i32) {
    %c0_i32 = arith.constant 0 : i32
    %c0_i32_0 = arith.constant 0 : i32
    %c0_i32_1 = arith.constant 0 : i32
    return %c0_i32, %arg0, %c0_i32_0 : i32, i32, i32
  }
  func.func @transform_2(%arg0: i32) -> (i32, i32) {
    %c0_i32 = arith.constant 0 : i32
    %c0_i32_0 = arith.constant 0 : i32
    return %arg0, %c0_i32 : i32, i32
  }
  func.func @transform_3(%arg0: i32) -> (i32, i32) {
    %c0_i32 = arith.constant 0 : i32
    %c0_i32_0 = arith.constant 0 : i32
    %c0_i32_1 = arith.constant 0 : i32
    return %c0_i32, %c0_i32_0 : i32, i32
  }
  func.func @transform_4(%arg0: i32) -> (i32, i32) {
    %c0_i32 = arith.constant 0 : i32
    %c0_i32_0 = arith.constant 0 : i32
    %c0_i32_1 = arith.constant 0 : i32
    return %c0_i32, %c0_i32_0 : i32, i32
  }
  func.func @transform_5(%arg0: i32) -> (i32, i32) {
    %c0_i32 = arith.constant 0 : i32
    %c0_i32_0 = arith.constant 0 : i32
    %c0_i32_1 = arith.constant 0 : i32
    return %c0_i32, %c0_i32_0 : i32, i32
  }
  func.func @transform_6(%arg0: i32) -> (i32, i32) {
    %c0_i32 = arith.constant 0 : i32
    %c0_i32_0 = arith.constant 0 : i32
    return %arg0, %c0_i32 : i32, i32
  }
}

</mosaic_0001>

<sc_bundles>
// kernel: kernel.11.cloned.1.call-start
scs
__scs_entry_jumppad:
0x0: {  	(pc) =	sbr.rel $0x88, $3  }
0x1: {  	(tag) =	ssettag $0x0;
	lr =	simm.s32 $0x1  }
0x2: {  	[smem:$0x3F99] =	sst lr;
	_ =	strace $0xD0000000  }
0x3: {  	_ = 	snop  }
0x4: {  	_ = 	snop  }
0x5: {  	_ = 	snop  }
0x6: {  	_ = 	snop  }
0x7: {  	_ = 	snop  }
__scs_overlays_trampoline_lowered:
0x8: {  	[smem:$0x3FA8] =	sst s0  }
0x9: {  	[smem:$0x3FA9] =	sst s1  }
0xa: {  	[smem:$0x3FAA] =	sst s2  }
0xb: {  	[smem:$0x3FAB] =	sst s3  }
0xc: {  	[smem:$0x3FAC] =	sst s4  }
0xd: {  	[smem:$0x3FAD] =	sst s5  }
0xe: {  	[smem:$0x3FAE] =	sst s6  }
0xf: {  	[smem:$0x3FAF] =	sst s7  }
0x10: {  	[smem:$0x3FB0] =	sst s8  }
0x11: {  	[smem:$0x3FB1] =	sst s9;
	s0 =	simm.s32 @!p0 $0x0  }
0x12: {  	s1 =	sld [smem:$0x3F97];
	s0 =	simm.s32 @p0 $0x1  }
0x13: {  	[smem:$0x3FB2] =	sst s0;
	s0 =	simm.s32 @!p1 $0x0  }
0x14: {  	s2 =	sld [smem:$0x3F96];
	s0 =	simm.s32 @p1 $0x1  }
0x15: {  	[smem:$0x3FB3] =	sst s0;
	s0 =	simm.s32 @!p2 $0x0  }
0x16: {  	s3 =	sld [smem:$0x3FDB];
	s0 =	simm.s32 @p2 $0x1  }
0x17: {  	s4 =	simm.s32 $0x1BF5;
	[smem:$0x3FB5] =	sst s0  }
0x18: {  	s0 =	sld [smem:$0x3F98];
	_ =	swait.ge [sflag:s4], $0x0  }
0x19: {  	s7 =	sld [smem:$0x3F99]  }
0x1a: {  	s8 =	sadd.s32 $0xFFFFE003, lr  }
0x1b: {  	s9 =	sadd.s32 $0xFFFFFEF7, lr;
	s5 =	simm.s32 $0xFFFFFFFF;
	p2 =	slt.u32 s8, $0xFFFFF086  }
0x1c: {  	p1 =	slt.u32 s9, $0xF7A;
	s5 =	simm.s32 @!p2 $0x0  }
0x1d: {  	s5 =	simm.s32 @p1 $0x1;
	p0 =	seq.s32 s7, s2  }
0x1e: {  	s7 =	smul.u32 @!p0 $0xF7A, s2;
	p2 =	seq.s32 @!p0 s5, $0x0  }
0x1f: {  	s9 =	smul.u32 $0xF7A, s1;
	s8 =	simm.s32 @!p0 $0x1BF5;
	p2 =	por !p2, p0  }
0x20: {  	[sflag:s8] =	ssyncset.s32 @!p0 $0xFFFFF086;
	s6 =	sadd.s32 @!p0 s3, s7;
	s7 =	simm.s32 @!p0 $0x108  }
0x21: {  	s3 =	sadd.s32 s3, s9;
	s6 =	sadd.s32 @!p0 $0x88, s6;
	s7 =	simm.s32 @p2 $0x1082  }
0x22: {  	[simem:s7], [sflag:s8] =	dma.local @!p0 [hbm:s6], $0xF7A  }
0x23: {  	s9 =	sor.u32 $0xD0000000, s2;
	s6 =	simm.s32 $0x108;
	_ =	swait.ge @!p0 [sflag:s8], $0x0  }
0x24: {  	s3 =	sadd.s32 $0x88, s3;
	s6 =	simm.s32 @!p1 $0x1082;
	[sflag:s4] =	ssyncset.s32 $0xFFFFF086  }
0x25: {  	[simem:s6], [sflag:s4] =	dma.local [hbm:s3], $0xF7A  }
0x26: {  	[smem:$0x3F99] =	sst s1;
	(tag) =	ssettag s2;
	_ =	strace s9  }
0x27: {  	s1 =	sld [smem:$0x3FA9]  }
0x28: {  	s2 =	sld [smem:$0x3FAA]  }
0x29: {  	s4 =	sld [smem:$0x3FAC]  }
0x2a: {  	p0 =	seq.s32 s5, $0x0;
	s5 =	sld [smem:$0x3FAD]  }
0x2b: {  	s6 =	sld [smem:$0x3FAE]  }
0x2c: {  	s7 =	sld [smem:$0x3FAF]  }
0x2d: {  	s3 =	simm.s32 $0x108;
	s8 =	sld [smem:$0x3FB0]  }
0x2e: {  	s3 =	simm.s32 @!p0 $0x1082;
	s9 =	sld [smem:$0x3FB1]  }
0x2f: {  	lr =	sadd.s32 s0, s3;
	s0 =	sld [smem:$0x3FA8]  }
0x30: {  	s3 =	sld [smem:$0x3FAB]  }
0x31: {  	[smem:$0x3FB4] =	sst s10  }
0x32: {  	s10 =	sld [smem:$0x3FB2];
	_ =	sdelay $0x3  }
0x33: {  	p0 =	seq.s32 s10, $0x1;
	s10 =	sld [smem:$0x3FB4];
	_ =	sdelay $0x3  }
0x34: {  	[smem:$0x3FB4] =	sst s10  }
0x35: {  	s10 =	sld [smem:$0x3FB3];
	_ =	sdelay $0x3  }
0x36: {  	p1 =	seq.s32 s10, $0x1;
	s10 =	sld [smem:$0x3FB4];
	_ =	sdelay $0x3  }
0x37: {  	[smem:$0x3FB4] =	sst s10  }
0x38: {  	s10 =	sld [smem:$0x3FB5]  }
0x39: {  	_ = 	snop;
	(pc) =	sbr.ind lr, $3  }
0x3a: {  	_ = 	snop  }
0x3b: {  	_ = 	snop  }
0x3c: {  	p2 =	seq.s32 s10, $0x1;
	s10 =	sld [smem:$0x3FB4]  }
0x3d: {  	_ =	shalt  }
0x3e: {  	_ =	shalt  }
0x3f: {  	_ =	shalt  }
0x40: {  	_ =	shalt  }
0x41: {  	_ =	shalt  }
0x42: {  	_ =	shalt  }
0x43: {  	_ =	shalt  }
0x44: {  	_ =	shalt  }
0x45: {  	_ =	shalt  }
0x46: {  	_ =	shalt  }
0x47: {  	_ =	shalt  }
0x48: {  	_ =	shalt  }
0x49: {  	_ =	shalt  }
0x4a: {  	_ =	shalt  }
0x4b: {  	_ =	shalt  }
0x4c: {  	_ =	shalt  }
0x4d: {  	_ =	shalt  }
0x4e: {  	_ =	shalt  }
0x4f: {  	_ =	shalt  }
0x50: {  	_ =	shalt  }
0x51: {  	_ =	shalt  }
0x52: {  	_ =	shalt  }
0x53: {  	_ =	shalt  }
0x54: {  	_ =	shalt  }
0x55: {  	_ =	shalt  }
0x56: {  	_ =	shalt  }
0x57: {  	_ =	shalt  }
0x58: {  	_ =	shalt  }
0x59: {  	_ =	shalt  }
0x5a: {  	_ =	shalt  }
0x5b: {  	_ =	shalt  }
0x5c: {  	_ =	shalt  }
0x5d: {  	_ =	shalt  }
0x5e: {  	_ =	shalt  }
0x5f: {  	_ =	shalt  }
0x60: {  	_ =	shalt  }
0x61: {  	_ =	shalt  }
0x62: {  	_ =	shalt  }
0x63: {  	_ =	shalt  }
0x64: {  	_ =	shalt  }
0x65: {  	_ =	shalt  }
0x66: {  	_ =	shalt  }
0x67: {  	_ =	shalt  }
0x68: {  	_ =	shalt  }
0x69: {  	_ =	shalt  }
0x6a: {  	_ =	shalt  }
0x6b: {  	_ =	shalt  }
0x6c: {  	_ =	shalt  }
0x6d: {  	_ =	shalt  }
0x6e: {  	_ =	shalt  }
0x6f: {  	_ =	shalt  }
0x70: {  	_ =	shalt  }
0x71: {  	_ =	shalt  }
0x72: {  	_ =	shalt  }
0x73: {  	_ =	shalt  }
0x74: {  	_ =	shalt  }
0x75: {  	_ =	shalt  }
0x76: {  	_ =	shalt  }
0x77: {  	_ =	shalt  }
0x78: {  	_ =	shalt  }
0x79: {  	_ =	shalt  }
0x7a: {  	_ =	shalt  }
0x7b: {  	_ =	shalt  }
0x7c: {  	_ =	shalt  }
0x7d: {  	_ =	shalt  }
0x7e: {  	_ =	shalt  }
0x7f: {  	_ =	shalt  }
0x80: {  	_ =	shalt  }
0x81: {  	_ =	shalt  }
0x82: {  	_ =	shalt  }
0x83: {  	_ =	shalt  }
0x84: {  	_ =	shalt  }
0x85: {  	_ =	shalt  }
0x86: {  	_ =	shalt  }
0x87: {  	_ =	shalt  }
.Lfunc_end0:
.L_simem_size_0:
called_computation.1_lowered:
.L_overlay_start_0:
0x88: {  	s2 =	sld [smem:$0x3FD9]  }
0x89: {  	s3 =	sld [smem:$0x3FFE];
	_ =	sdelay $0x1  }
0x8a: {  	s1 =	srdreg.scid  }
0x8b: {  	s0 =	sand.u32 $0x1, s1  }
0x8c: {  	s16 =	sshll.u32 s0, $0xA;
	s2 =	sadd.s32 s3, s2  }
0x8d: {  	s2 =	sadd.s32 s2, s16  }
0x8e: {  	[smem:$0x3FC0] =	sst s2  }
0x8f: {  	_ = 	snop  }
0x90: {  	(tm) =	ssettm $0x1  }
0x91: {  	s17 =	sld [smem:$0x3FFB];
	_ =	sdelay $0x3  }
0x92: {  	_ =	strace s17  }
0x93: {  	s2 =	sld [smem:$0x3FFC];
	_ =	sdelay $0x3  }
0x94: {  	_ =	strace s2  }
0x95: {  	s2 =	sld [smem:$0x3FFD];
	_ =	sdelay $0x3  }
0x96: {  	_ =	strace s2  }
0x97: {  	_ =	strace $0x8FFFFFFF  }
0x98: {  	s18 =	sld [smem:$0x3FDB];
	_ =	sdelay $0x1  }
0x99: {  	s19 =	simm.s32 $_scs_section_size  }
0x9a: {  	s4 =	simm.s32 $_size__tile_overlayer_lowered;
	s5 =	simm.s32 $_tile_overlayer_lowered  }
0x9b: {  	s22 =	simm.s32 $0x1BFF;
	s21 =	sshll.u32 s5, $0x1;
	s2 =	sadd.s32 s19, s18  }
0x9c: {  	s6 =	simm.s32 $0x0;
	s20 =	sshll.u32 s4, $0x1;
	s4 =	sadd.s32 s21, s2  }
0x9d: {  	[timem:s6], [sflag:s22] =	dma.local [hbm:s4], s20  }
0x9e: {  	_ =	swait.ge [sflag:s22], s20  }
0x9f: {  	s3 =	ssub.s32 $0x0, s20;
	[sflag:s22] =	ssyncset.done $0x0  }
0xa0: {  	[sflag:s22] =	ssyncadd.s32 s3;
	_ =	sdelay $0x1  }
0xa1: {  	s23 =	simm.s32 $0x1B8B  }
0xa2: {  	_ =	swait.ge [sflag:s23], $0x1  }
0xa3: {  	[sflag:s23] =	ssyncset.done $0x0  }
0xa4: {  	s25 =	simm.s32 $0x1B8E;
	s24 =	sld [smem:$0x3FFE];
	[sflag:s23] =	ssyncadd.s32 $0xFFFFFFFF  }
0xa5: {  	s26 =	simm.s32 $execute0_lowered;
	[smem:$0x3FD2] =	sst s25  }
0xa6: {  	s4 =	sshll.u32 s26, $0x1;
	_ =	strace $0x80000049;
	[dreg:$0x1] =	wrdreg $0xFFFFFFFF  }
0xa7: {  	s28 =	simm.s32 $_size_execute0_lowered;
	s2 =	sadd.s32 s2, s4;
	[dreg:$0x0] =	wrdreg $0x0  }
0xa8: {  	s4 =	sshll.u32 s28, $0x1;
	[dreg:$0x2] =	wrdreg s2  }
0xa9: {  	[dreg:$0x3] =	wrdreg s4  }
0xaa: {  	[dreg:$0x4] =	wrdreg $0xC0  }
0xab: {  	_ =	task [dreg:s6], $0x5FFFF  }
0xac: {  	[dreg:$0x1] =	wrdreg $0xFFFFFFFF  }
0xad: {  	[dreg:$0x0] =	wrdreg $0x60  }
0xae: {  	[dreg:$0x2] =	wrdreg s24  }
0xaf: {  	[dreg:$0x3] =	wrdreg $0x69000  }
0xb0: {  	[dreg:$0x4] =	wrdreg $0x9  }
0xb1: {  	_ =	task.clear_ibuf [dreg:s6], $0x5FFFF;
	_ =	strace $0x90000049  }
0xb2: {  	s29 =	simm.s32 $0x9;
	_ =	strace $0x8000004B  }
0xb3: {  	_ =	swait.ge [sflag:s29], $0x1  }
0xb4: {  	[sflag:s29] =	ssyncadd.s32 $0xFFFFFFFF  }
0xb5: {  	_ =	strace $0x9000004B  }
0xb6: {  	_ =	sfence  }
0xb7: {  	s30 =	sld [smem:$0x0];
	_ =	sdelay $0x2  }
0xb8: {  	s31 =	sshll.u32 s1, $0xD;
	s1 =	sshrl.u32 s1, $0x2  }
0xb9: {  	s3 =	sand.u32 $0x4000, s31;
	s1 =	sadd.s32 s1, s30  }
0xba: {  	s0 =	sor.u32 s3, s0;
	s1 =	sshll.u32 s1, $0x11  }
0xbb: {  	s0 =	sor.u32 s1, s0  }
0xbc: {  	s0 =	sadd.s32 $0x8F2B, s0  }
0xbd: {  	[sflag:s0] =	ssyncadd.remote.s32 $0x1  }
0xbe: {  	_ =	sfence.sel $0xFFFF  }
0xbf: {  	[dreg:$0x0] =	wrdreg $0xFFFFFFFF;
	(pc) =	sbr.abs _section_cstart, $3  }
0xc0: {  	[dreg:$0x1] =	wrdreg $0xFFFFFFFF  }
0xc1: {  	_ =	task.clear_ibuf [dreg:s6], $0x2FFFF;
	_ =	strace $0x9FFFFFFF  }
0xc2: {  	(tm) =	ssettm $0x7FFFFFFF  }
0xc3: {  	_ =	shalt  }
tec
execute0_lowered:
.L_overlay_start_1:
0x0: {  	(tag) =	ssettag $0x1  }
0x1: {  	s5 =	rddreg [dreg:$0x0]  }
0x2: {  	s1 =	rddreg [dreg:$0x1]  }
0x3: {  	s4 =	srdreg.scid;
	s2 =	stileid.u32  }
0x4: {  	s3 =	simm.s32 $0x0;
	s20 =	simm.s32 $0x2900;
	s21 =	simm.s32 $0x2  }
0x5: {  	s22 =	simm.s32 $0x80;
	s23 =	simm.s32 $0x50;
	s24 =	simm.s32 $0x100  }
0x6: {  	s25 =	simm.s32 $0x1;
	s26 =	simm.s32 $0x0;
	s6 =	smul.u32 $0x4E20, s2  }
0x7: {  	s7 =	sand.u32 $0x1, s4;
	[smem:$0x7FF] =	sst s3;
	s29 =	smul.u32 $0x4E000, s2  }
0x8: {  	s4 =	sadd.s32 $0x16200, s5;
	s11 =	smul.u32 $0x13800, s2;
	s16 =	sadd.s32 $0x3D400, s5  }
0x9: {  	s10 =	sadd.s32 $0x138000, s1;
	p0 =	sne.s32 s2, $0x0;
	s8 =	smul.u32 $0x2710, s7  }
0xa: {  	_ =	strace $0x8000004A;
	s9 =	ssub.s32 $0x2, s7;
	s18 =	smul.u32 $0x138800, s7  }
0xb: {  	s30 =	sshrl.u32 s9, $0x1;
	s31 =	sshrl.u32 s29, $0x2;
	s12 =	sadd.s32 $0x4000, s11  }
0xc: {  	s13 =	sadd.s32 $0x8000, s11;
	s14 =	sadd.s32 $0xC000, s11;
	s15 =	sadd.s32 $0x10000, s11  }
0xd: {  	s6 =	sadd.s32 s8, s6;
	s17 =	ssub.s32 s9, s30;
	s7 =	sadd.s32 s13, s1  }
0xe: {  	s8 =	sadd.s32 s14, s1;
	s9 =	sadd.s32 s15, s1;
	s11 =	sadd.s32 s11, s18  }
0xf: {  	s13 =	sadd.s32 s18, s13;
	s14 =	sadd.s32 s18, s14;
	s15 =	sadd.s32 s18, s15  }
0x10: {  	s6 =	sshrl.u32 s6, $0x3;
	s11 =	sshrl.u32 s11, $0x3;
	s13 =	sshrl.u32 s13, $0x3  }
0x11: {  	s14 =	sshrl.u32 s14, $0x3;
	s15 =	sshrl.u32 s15, $0x3;
	s17 =	smax.u32 s17, $0x1  }
0x12: {  	s19 =	sadd.s32 s6, s5;
	s5 =	sadd.s32 s31, s1;
	s6 =	sadd.s32 s12, s1  }
0x13: {  	s12 =	sadd.s32 s18, s12;
	s11 =	sadd.s32 s16, s11;
	s13 =	sadd.s32 s16, s13  }
0x14: {  	s18 =	sshrl.u32 s18, $0x3;
	s14 =	sadd.s32 s16, s14;
	s12 =	sshrl.u32 s12, $0x3  }
0x15: {  	s15 =	sadd.s32 s16, s15;
	s12 =	sadd.s32 s16, s12;
	s16 =	sadd.s32 s16, s18  }
0x16: {  	v0 =	vimm.f32 $0.0e+00;
	s18 =	sadd.s32 $0xC400, s19;
	s19 =	sadd.s32 $0x2600, s19;
	s16 =	sadd.s32 $0x27000, s16  }
.LBB2_1:
0x17: {  	s28 =	simm.s32 $0x0;
	s29 =	simm.s32 $0x200  }
.LBB2_2:
0x18: {  	p1 =	sne.s32 s29, $0xFE00;
	[tilespmem:s28+$0x2970] =	vst v0  }
0x19: {  	[tilespmem:s28+$0x2900] =	vst v0  }
0x1a: {  	[tilespmem:s28+$0x2910] =	vst v0  }
.Ltmp0:
0x1b: {  	[tilespmem:s28+$0x2920] =	vst v0;
	(pc) =	sbr.rel @p1 .LBB2_2-.Ltmp0, $4  }
0x1c: {  	[tilespmem:s28+$0x2930] =	vst v0  }
0x1d: {  	[tilespmem:s28+$0x2940] =	vst v0  }
0x1e: {  	[tilespmem:s28+$0x2950] =	vst v0  }
0x1f: {  	[tilespmem:s28+$0x2960] =	vst v0;
	s28 =	sshra.s32 s29, $0x2;
	s29 =	sadd.s32 $0x200, s29  }
0x20: {  	[tilespmem:s28+$0x2970] =	vst v0  }
0x21: {  	[tilespmem:s28+$0x2900] =	vst v0  }
0x22: {  	[tilespmem:s28+$0x2910] =	vst v0  }
0x23: {  	[tilespmem:s28+$0x2920] =	vst v0  }
0x24: {  	[tilespmem:s28+$0x2930] =	vst v0  }
0x25: {  	[tilespmem:s28+$0x2940] =	vst v0  }
0x26: {  	[tilespmem:s28+$0x2950] =	vst v0  }
0x27: {  	[tilespmem:s28+$0x2960] =	vst v0  }
0x28: {  	[spmem:s5] =	stream.linear.scatter [tilespmem:s20], [sflag:$0x2], $0x4000, $0x38;
	[tilespmem:$0x1A180] =	vst v63  }
0x29: {  	_ =	swait.ge [sflag:s21], $0x4000  }
0x2a: {  	[sflag:s21] =	ssyncset.done $0x0  }
0x2b: {  	[sflag:s21] =	ssyncadd.s32 $0xFFFFC000  }
0x2c: {  	[spmem:s6] =	stream.linear.scatter [tilespmem:s20], [sflag:$0x2], $0x4000, $0x38;
	[tilespmem:$0x1A180] =	vst v63  }
0x2d: {  	_ =	swait.ge [sflag:s21], $0x4000  }
0x2e: {  	[sflag:s21] =	ssyncset.done $0x0  }
0x2f: {  	[sflag:s21] =	ssyncadd.s32 $0xFFFFC000  }
0x30: {  	[spmem:s7] =	stream.linear.scatter [tilespmem:s20], [sflag:$0x2], $0x4000, $0x38;
	[tilespmem:$0x1A180] =	vst v63  }
0x31: {  	_ =	swait.ge [sflag:s21], $0x4000  }
0x32: {  	[sflag:s21] =	ssyncset.done $0x0  }
0x33: {  	[sflag:s21] =	ssyncadd.s32 $0xFFFFC000  }
0x34: {  	[spmem:s8] =	stream.linear.scatter [tilespmem:s20], [sflag:$0x2], $0x4000, $0x38;
	[tilespmem:$0x1A180] =	vst v63  }
0x35: {  	_ =	swait.ge [sflag:s21], $0x4000  }
0x36: {  	[sflag:s21] =	ssyncset.done $0x0  }
0x37: {  	[sflag:s21] =	ssyncadd.s32 $0xFFFFC000  }
0x38: {  	[spmem:s9] =	stream.linear.scatter [tilespmem:s20], [sflag:$0x2], $0x3800, $0x38;
	[tilespmem:$0x1A180] =	vst v63  }
0x39: {  	_ =	swait.ge [sflag:s21], $0x3800  }
0x3a: {  	[sflag:s21] =	ssyncset.done $0x0  }
0x3b: {  	s28 =	simm.s32 @!p0 $0x2900;
	[sflag:s21] =	ssyncadd.s32 $0xFFFFC800  }
0x3c: {  	[spmem:s10] =	stream.linear.scatter @!p0 [tilespmem:s28], [sflag:$0x2], $0x800, $0x38;
	[tilespmem:$0x1A180] =	vst v63  }
0x3d: {  	s28 =	simm.s32 @!p0 $0x2  }
0x3e: {  	_ =	swait.ge @!p0 [sflag:s28], $0x800  }
0x3f: {  	[sflag:s28] =	ssyncset.done @!p0 $0x0  }
0x40: {  	[sflag:s28] =	ssyncadd.s32 @!p0 $0xFFFFF800  }
0x41: {  	s28 =	sadd.s32 $0x0, s19;
	[bflag:$0x0] =	sbarrier.arrive $0xFFFF  }
0x42: {  	[tilespmem:s3], [sflag:$0x2] =	stream.linear.gather [hbm4b:s28+s3], $0x50, $0x38;
	[tilespmem:$0x1A180] =	vst v63  }
0x43: {  	_ =	swait.ge [sflag:s21], $0x50  }
0x44: {  	[sflag:s21] =	ssyncset.done $0x0  }
0x45: {  	s28 =	sadd.s32 $0x0, s18;
	[sflag:s21] =	ssyncadd.s32 $0xFFFFFFB0  }
0x46: {  	[tilespmem:s22], [sflag:$0x2] =	stream.linear.gather [hbm4b:s28+s3], $0x50, $0x38;
	[tilespmem:$0x1A180] =	vst v63  }
0x47: {  	_ =	swait.ge [sflag:s21], $0x50  }
0x48: {  	[sflag:s21] =	ssyncset.done $0x0  }
0x49: {  	[sflag:s21] =	ssyncadd.s32 $0xFFFFFFB0  }
0x4a: {  	[tilespmem:s24], [sflag:$0x1] =	stream.indirect.gather [hbm4b:s4+s23], $0x80, s3, s23, $0xb8;
	[tilespmem:$0x1A180] =	vst v63  }
0x4b: {  	_ =	swait.ge [sflag:s25], $0x2800  }
0x4c: {  	[sflag:s25] =	ssyncset.done $0x0  }
0x4d: {  	[sflag:s25] =	ssyncadd.s32 $0xFFFFD800  }
0x4e: {  	[spmem:s1] =	stream.indirect.scatter.add.f32 [tilespmem:s24], [sflag:$0x2], $0x80, s22, s23, $0xb8;
	[tilespmem:$0x1A180] =	vst v63  }
0x4f: {  	_ =	swait.ge [sflag:s21], $0x2800  }
0x50: {  	s29 =	simm.s32 $0x14;
	s28 =	simm.s32 $0xA;
	[sflag:s21] =	ssyncset.done $0x0  }
.LBB2_4:
0x51: {  	s30 =	sadd.s32 s28, s19  }
0x52: {  	[sflag:s21] =	ssyncadd.s32 $0xFFFFD800;
	s31 =	smov.u32 s29;
	s0 =	sadd.s32 $0xA, s29  }
0x53: {  	[tilespmem:s3], [sflag:$0x2] =	stream.linear.gather [hbm4b:s30+s3], $0x50, $0x38;
	[tilespmem:$0x1A180] =	vst v63  }
0x54: {  	p1 =	sne.s32 s29, $0x4D8;
	_ =	swait.ge [sflag:s21], $0x50  }
0x55: {  	[sflag:s21] =	ssyncset.done $0x0  }
0x56: {  	s29 =	sadd.s32 s28, s18;
	s28 =	smov.u32 s31;
	[sflag:s21] =	ssyncadd.s32 $0xFFFFFFB0  }
0x57: {  	[tilespmem:s22], [sflag:$0x2] =	stream.linear.gather [hbm4b:s29+s3], $0x50, $0x38;
	[tilespmem:$0x1A180] =	vst v63  }
0x58: {  	_ =	swait.ge [sflag:s21], $0x50  }
0x59: {  	[sflag:s21] =	ssyncset.done $0x0  }
0x5a: {  	[sflag:s21] =	ssyncadd.s32 $0xFFFFFFB0  }
0x5b: {  	[tilespmem:s24], [sflag:$0x1] =	stream.indirect.gather [hbm4b:s4+s23], $0x80, s3, s23, $0xb8;
	[tilespmem:$0x1A180] =	vst v63  }
0x5c: {  	_ =	swait.ge [sflag:s25], $0x2800  }
.Ltmp1:
0x5d: {  	[sflag:s25] =	ssyncset.done $0x0;
	(pc) =	sbr.rel @p1 .LBB2_4-.Ltmp1, $4  }
0x5e: {  	[sflag:s25] =	ssyncadd.s32 $0xFFFFD800  }
0x5f: {  	[spmem:s1] =	stream.indirect.scatter.add.f32 [tilespmem:s24], [sflag:$0x2], $0x80, s22, s23, $0xb8;
	[tilespmem:$0x1A180] =	vst v63  }
0x60: {  	_ =	swait.ge [sflag:s21], $0x2800  }
0x61: {  	s29 =	smov.u32 s0;
	[sflag:s21] =	ssyncset.done $0x0  }
0x62: {  	s0 =	sadd.s32 s28, s19;
	[sflag:s21] =	ssyncadd.s32 $0xFFFFD800  }
0x63: {  	[tilespmem:s3], [sflag:$0x2] =	stream.linear.gather [hbm4b:s0+s3], $0x50, $0x38;
	[tilespmem:$0x1A180] =	vst v63  }
0x64: {  	_ =	swait.ge [sflag:s21], $0x50  }
0x65: {  	[sflag:s21] =	ssyncset.done $0x0  }
0x66: {  	s28 =	sadd.s32 s28, s18;
	[sflag:s21] =	ssyncadd.s32 $0xFFFFFFB0  }
0x67: {  	[tilespmem:s22], [sflag:$0x2] =	stream.linear.gather [hbm4b:s28+s3], $0x50, $0x38;
	[tilespmem:$0x1A180] =	vst v63  }
0x68: {  	_ =	swait.ge [sflag:s21], $0x50  }
0x69: {  	[sflag:s21] =	ssyncset.done $0x0  }
0x6a: {  	[sflag:s21] =	ssyncadd.s32 $0xFFFFFFB0  }
0x6b: {  	[tilespmem:s24], [sflag:$0x1] =	stream.indirect.gather [hbm4b:s4+s23], $0x80, s3, s23, $0xb8;
	[tilespmem:$0x1A180] =	vst v63  }
0x6c: {  	_ =	swait.ge [sflag:s25], $0x2800  }
0x6d: {  	[sflag:s25] =	ssyncset.done $0x0  }
0x6e: {  	[sflag:s25] =	ssyncadd.s32 $0xFFFFD800  }
0x6f: {  	[spmem:s1] =	stream.indirect.scatter.add.f32 [tilespmem:s24], [sflag:$0x2], $0x80, s22, s23, $0xb8;
	[tilespmem:$0x1A180] =	vst v63  }
0x70: {  	_ =	swait.ge [sflag:s21], $0x2800  }
0x71: {  	[sflag:s21] =	ssyncset.done $0x0  }
0x72: {  	s29 =	sshll.u32 s2, $0x6;
	[sflag:s21] =	ssyncadd.s32 $0xFFFFD800  }
0x73: {  	s30 =	sshrl.u32 s5, $0x3;
	s0 =	sor.u32 $0x1C02, s29;
	[bflag:$0x0] =	sbarrier.arrive $0xFFFF  }
0x74: {  	[hbm:s11], [sflag:s0] =	dma.local [spmem:s30], $0x800  }
0x75: {  	_ =	swait.ge [sflag:s21], $0x800  }
0x76: {  	[sflag:s21] =	ssyncset.done $0x0  }
0x77: {  	s31 =	sshrl.u32 s6, $0x3;
	[sflag:s21] =	ssyncadd.s32 $0xFFFFF800  }
0x78: {  	[hbm:s12], [sflag:s0] =	dma.local [spmem:s31], $0x800  }
0x79: {  	_ =	swait.ge [sflag:s21], $0x800  }
0x7a: {  	[sflag:s21] =	ssyncset.done $0x0  }
0x7b: {  	s29 =	sshrl.u32 s7, $0x3;
	[sflag:s21] =	ssyncadd.s32 $0xFFFFF800  }
0x7c: {  	[hbm:s13], [sflag:s0] =	dma.local [spmem:s29], $0x800  }
0x7d: {  	_ =	swait.ge [sflag:s21], $0x800  }
0x7e: {  	[sflag:s21] =	ssyncset.done $0x0  }
0x7f: {  	s30 =	sshrl.u32 s8, $0x3;
	[sflag:s21] =	ssyncadd.s32 $0xFFFFF800  }
0x80: {  	[hbm:s14], [sflag:s0] =	dma.local [spmem:s30], $0x800  }
0x81: {  	_ =	swait.ge [sflag:s21], $0x800  }
0x82: {  	[sflag:s21] =	ssyncset.done $0x0  }
0x83: {  	s31 =	sshrl.u32 s9, $0x3;
	[sflag:s21] =	ssyncadd.s32 $0xFFFFF800  }
0x84: {  	[hbm:s15], [sflag:s0] =	dma.local [spmem:s31], $0x700  }
0x85: {  	_ =	swait.ge [sflag:s21], $0x700  }
0x86: {  	s26 =	sadd.s32 $0x1, s26;
	[sflag:s21] =	ssyncset.done $0x0  }
0x87: {  	p1 =	sne.s32 s26, s17;
	s28 =	sshrl.u32 @!p0 s10, $0x3;
	[sflag:s21] =	ssyncadd.s32 $0xFFFFF900  }
0x88: {  	[hbm:s16], [sflag:s0] =	dma.local @!p0 [spmem:s28], $0x100  }
.Ltmp2:
0x89: {  	_ = 	snop;
	(pc) =	sbr.rel @p1 .LBB2_1-.Ltmp2, $4  }
0x8a: {  	s0 =	simm.s32 @!p0 $0x2  }
0x8b: {  	_ =	swait.ge @!p0 [sflag:s0], $0x100  }
0x8c: {  	[sflag:s0] =	ssyncset.done @!p0 $0x0  }
0x8d: {  	[sflag:s0] =	ssyncadd.s32 @!p0 $0xFFFFFF00  }
0x8e: {  	_ =	sfence.sel $0x180000  }
0x8f: {  	[bflag:$0x0] =	sbarrier.arrive $0xFFFF  }
0x90: {  	_ =	strace $0x9000004A  }
0x91: {  	[bflag:$0x2] =	sbarrier.arrive $0xFFFF  }
0x92: {  	s0 =	rddreg [dreg:$0x2]  }
0x93: {  	s0 =	sadd.s32 @!p0 $0x100000, s0  }
0x94: {  	[sflag:s0] =	ssyncadd.tile.s32 @!p0 $0x1;
	_ =	shalt  }
.Lfunc_end2:
_tile_overlayer_lowered:
.L_overlay_start_2:
0x95: {  	(tag) =	ssettag $0x2  }
0x96: {  	s0 =	rddreg [dreg:$0x0];
	s2 =	stileid.u32  }
0x97: {  	s1 =	rddreg [dreg:$0x1];
	p0 =	sne.s32 s2, $0x0  }
0x98: {  	s3 =	rddreg [dreg:$0x2];
	[bflag:$0x3] =	sbarrier.arrive $0xFFFF;
	s2 =	simm.s32 @!p0 $0x1C02  }
0x99: {  	[timem:s3], [sflag:s2] =	dma.local @!p0 [hbm:s0], s1  }
0x9a: {  	s0 =	simm.s32 @!p0 $0x2  }
0x9b: {  	_ =	swait.ge @!p0 [sflag:s0], s1  }
0x9c: {  	s1 =	ssub.s32 @!p0 $0x0, s1;
	[sflag:s0] =	ssyncset.done @!p0 $0x0  }
0x9d: {  	[sflag:s0] =	ssyncadd.s32 @!p0 s1  }
0x9e: {  	[bflag:$0x3] =	sbarrier.arrive $0xFFFF  }
0x9f: {  	_ =	shalt  }

// kernel: kernel.14.cloned.1.call-start
scs
__scs_entry_jumppad:
0x0: {  	(pc) =	sbr.rel $0x88, $3  }
0x1: {  	(tag) =	ssettag $0x0;
	lr =	simm.s32 $0x1  }
0x2: {  	[smem:$0x3F99] =	sst lr;
	_ =	strace $0xD0000000  }
0x3: {  	_ = 	snop  }
0x4: {  	_ = 	snop  }
0x5: {  	_ = 	snop  }
0x6: {  	_ = 	snop  }
0x7: {  	_ = 	snop  }
__scs_overlays_trampoline_lowered:
0x8: {  	[smem:$0x3FA8] =	sst s0  }
0x9: {  	[smem:$0x3FA9] =	sst s1  }
0xa: {  	[smem:$0x3FAA] =	sst s2  }
0xb: {  	[smem:$0x3FAB] =	sst s3  }
0xc: {  	[smem:$0x3FAC] =	sst s4  }
0xd: {  	[smem:$0x3FAD] =	sst s5  }
0xe: {  	[smem:$0x3FAE] =	sst s6  }
0xf: {  	[smem:$0x3FAF] =	sst s7  }
0x10: {  	[smem:$0x3FB0] =	sst s8  }
0x11: {  	[smem:$0x3FB1] =	sst s9;
	s0 =	simm.s32 @!p0 $0x0  }
0x12: {  	s1 =	sld [smem:$0x3F97];
	s0 =	simm.s32 @p0 $0x1  }
0x13: {  	[smem:$0x3FB2] =	sst s0;
	s0 =	simm.s32 @!p1 $0x0  }
0x14: {  	s2 =	sld [smem:$0x3F96];
	s0 =	simm.s32 @p1 $0x1  }
0x15: {  	[smem:$0x3FB3] =	sst s0;
	s0 =	simm.s32 @!p2 $0x0  }
0x16: {  	s3 =	sld [smem:$0x3FDB];
	s0 =	simm.s32 @p2 $0x1  }
0x17: {  	s4 =	simm.s32 $0x1BF5;
	[smem:$0x3FB5] =	sst s0  }
0x18: {  	s0 =	sld [smem:$0x3F98];
	_ =	swait.ge [sflag:s4], $0x0  }
0x19: {  	s7 =	sld [smem:$0x3F99]  }
0x1a: {  	s8 =	sadd.s32 $0xFFFFE003, lr  }
0x1b: {  	s9 =	sadd.s32 $0xFFFFFEF7, lr;
	s5 =	simm.s32 $0xFFFFFFFF;
	p2 =	slt.u32 s8, $0xFFFFF086  }
0x1c: {  	p1 =	slt.u32 s9, $0xF7A;
	s5 =	simm.s32 @!p2 $0x0  }
0x1d: {  	s5 =	simm.s32 @p1 $0x1;
	p0 =	seq.s32 s7, s2  }
0x1e: {  	s7 =	smul.u32 @!p0 $0xF7A, s2;
	p2 =	seq.s32 @!p0 s5, $0x0  }
0x1f: {  	s9 =	smul.u32 $0xF7A, s1;
	s8 =	simm.s32 @!p0 $0x1BF5;
	p2 =	por !p2, p0  }
0x20: {  	[sflag:s8] =	ssyncset.s32 @!p0 $0xFFFFF086;
	s6 =	sadd.s32 @!p0 s3, s7;
	s7 =	simm.s32 @!p0 $0x108  }
0x21: {  	s3 =	sadd.s32 s3, s9;
	s6 =	sadd.s32 @!p0 $0x88, s6;
	s7 =	simm.s32 @p2 $0x1082  }
0x22: {  	[simem:s7], [sflag:s8] =	dma.local @!p0 [hbm:s6], $0xF7A  }
0x23: {  	s9 =	sor.u32 $0xD0000000, s2;
	s6 =	simm.s32 $0x108;
	_ =	swait.ge @!p0 [sflag:s8], $0x0  }
0x24: {  	s3 =	sadd.s32 $0x88, s3;
	s6 =	simm.s32 @!p1 $0x1082;
	[sflag:s4] =	ssyncset.s32 $0xFFFFF086  }
0x25: {  	[simem:s6], [sflag:s4] =	dma.local [hbm:s3], $0xF7A  }
0x26: {  	[smem:$0x3F99] =	sst s1;
	(tag) =	ssettag s2;
	_ =	strace s9  }
0x27: {  	s1 =	sld [smem:$0x3FA9]  }
0x28: {  	s2 =	sld [smem:$0x3FAA]  }
0x29: {  	s4 =	sld [smem:$0x3FAC]  }
0x2a: {  	p0 =	seq.s32 s5, $0x0;
	s5 =	sld [smem:$0x3FAD]  }
0x2b: {  	s6 =	sld [smem:$0x3FAE]  }
0x2c: {  	s7 =	sld [smem:$0x3FAF]  }
0x2d: {  	s3 =	simm.s32 $0x108;
	s8 =	sld [smem:$0x3FB0]  }
0x2e: {  	s3 =	simm.s32 @!p0 $0x1082;
	s9 =	sld [smem:$0x3FB1]  }
0x2f: {  	lr =	sadd.s32 s0, s3;
	s0 =	sld [smem:$0x3FA8]  }
0x30: {  	s3 =	sld [smem:$0x3FAB]  }
0x31: {  	[smem:$0x3FB4] =	sst s10  }
0x32: {  	s10 =	sld [smem:$0x3FB2];
	_ =	sdelay $0x3  }
0x33: {  	p0 =	seq.s32 s10, $0x1;
	s10 =	sld [smem:$0x3FB4];
	_ =	sdelay $0x3  }
0x34: {  	[smem:$0x3FB4] =	sst s10  }
0x35: {  	s10 =	sld [smem:$0x3FB3];
	_ =	sdelay $0x3  }
0x36: {  	p1 =	seq.s32 s10, $0x1;
	s10 =	sld [smem:$0x3FB4];
	_ =	sdelay $0x3  }
0x37: {  	[smem:$0x3FB4] =	sst s10  }
0x38: {  	s10 =	sld [smem:$0x3FB5]  }
0x39: {  	_ = 	snop;
	(pc) =	sbr.ind lr, $3  }
0x3a: {  	_ = 	snop  }
0x3b: {  	_ = 	snop  }
0x3c: {  	p2 =	seq.s32 s10, $0x1;
	s10 =	sld [smem:$0x3FB4]  }
0x3d: {  	_ =	shalt  }
0x3e: {  	_ =	shalt  }
0x3f: {  	_ =	shalt  }
0x40: {  	_ =	shalt  }
0x41: {  	_ =	shalt  }
0x42: {  	_ =	shalt  }
0x43: {  	_ =	shalt  }
0x44: {  	_ =	shalt  }
0x45: {  	_ =	shalt  }
0x46: {  	_ =	shalt  }
0x47: {  	_ =	shalt  }
0x48: {  	_ =	shalt  }
0x49: {  	_ =	shalt  }
0x4a: {  	_ =	shalt  }
0x4b: {  	_ =	shalt  }
0x4c: {  	_ =	shalt  }
0x4d: {  	_ =	shalt  }
0x4e: {  	_ =	shalt  }
0x4f: {  	_ =	shalt  }
0x50: {  	_ =	shalt  }
0x51: {  	_ =	shalt  }
0x52: {  	_ =	shalt  }
0x53: {  	_ =	shalt  }
0x54: {  	_ =	shalt  }
0x55: {  	_ =	shalt  }
0x56: {  	_ =	shalt  }
0x57: {  	_ =	shalt  }
0x58: {  	_ =	shalt  }
0x59: {  	_ =	shalt  }
0x5a: {  	_ =	shalt  }
0x5b: {  	_ =	shalt  }
0x5c: {  	_ =	shalt  }
0x5d: {  	_ =	shalt  }
0x5e: {  	_ =	shalt  }
0x5f: {  	_ =	shalt  }
0x60: {  	_ =	shalt  }
0x61: {  	_ =	shalt  }
0x62: {  	_ =	shalt  }
0x63: {  	_ =	shalt  }
0x64: {  	_ =	shalt  }
0x65: {  	_ =	shalt  }
0x66: {  	_ =	shalt  }
0x67: {  	_ =	shalt  }
0x68: {  	_ =	shalt  }
0x69: {  	_ =	shalt  }
0x6a: {  	_ =	shalt  }
0x6b: {  	_ =	shalt  }
0x6c: {  	_ =	shalt  }
0x6d: {  	_ =	shalt  }
0x6e: {  	_ =	shalt  }
0x6f: {  	_ =	shalt  }
0x70: {  	_ =	shalt  }
0x71: {  	_ =	shalt  }
0x72: {  	_ =	shalt  }
0x73: {  	_ =	shalt  }
0x74: {  	_ =	shalt  }
0x75: {  	_ =	shalt  }
0x76: {  	_ =	shalt  }
0x77: {  	_ =	shalt  }
0x78: {  	_ =	shalt  }
0x79: {  	_ =	shalt  }
0x7a: {  	_ =	shalt  }
0x7b: {  	_ =	shalt  }
0x7c: {  	_ =	shalt  }
0x7d: {  	_ =	shalt  }
0x7e: {  	_ =	shalt  }
0x7f: {  	_ =	shalt  }
0x80: {  	_ =	shalt  }
0x81: {  	_ =	shalt  }
0x82: {  	_ =	shalt  }
0x83: {  	_ =	shalt  }
0x84: {  	_ =	shalt  }
0x85: {  	_ =	shalt  }
0x86: {  	_ =	shalt  }
0x87: {  	_ =	shalt  }
.Lfunc_end0:
.L_simem_size_0:
called_computation.2_lowered:
.L_overlay_start_0:
0x88: {  	s2 =	sld [smem:$0x3FD9]  }
0x89: {  	s3 =	sld [smem:$0x3FFE];
	_ =	sdelay $0x1  }
0x8a: {  	s1 =	srdreg.scid  }
0x8b: {  	s0 =	sand.u32 $0x1, s1  }
0x8c: {  	s16 =	sshll.u32 s0, $0xA;
	s2 =	sadd.s32 s3, s2  }
0x8d: {  	s2 =	sadd.s32 s2, s16  }
0x8e: {  	[smem:$0x3FC0] =	sst s2  }
0x8f: {  	_ = 	snop  }
0x90: {  	(tm) =	ssettm $0x1  }
0x91: {  	s17 =	sld [smem:$0x3FFB];
	_ =	sdelay $0x3  }
0x92: {  	_ =	strace s17  }
0x93: {  	s2 =	sld [smem:$0x3FFC];
	_ =	sdelay $0x3  }
0x94: {  	_ =	strace s2  }
0x95: {  	s2 =	sld [smem:$0x3FFD];
	_ =	sdelay $0x3  }
0x96: {  	_ =	strace s2  }
0x97: {  	_ =	strace $0x8FFFFFFF  }
0x98: {  	s18 =	sld [smem:$0x3FDB];
	_ =	sdelay $0x1  }
0x99: {  	s19 =	simm.s32 $_scs_section_size  }
0x9a: {  	s4 =	simm.s32 $_size__tile_overlayer_lowered;
	s5 =	simm.s32 $_tile_overlayer_lowered  }
0x9b: {  	s22 =	simm.s32 $0x1BFF;
	s21 =	sshll.u32 s5, $0x1;
	s2 =	sadd.s32 s19, s18  }
0x9c: {  	s6 =	simm.s32 $0x0;
	s20 =	sshll.u32 s4, $0x1;
	s4 =	sadd.s32 s21, s2  }
0x9d: {  	[timem:s6], [sflag:s22] =	dma.local [hbm:s4], s20  }
0x9e: {  	_ =	swait.ge [sflag:s22], s20  }
0x9f: {  	s3 =	ssub.s32 $0x0, s20;
	[sflag:s22] =	ssyncset.done $0x0  }
0xa0: {  	[sflag:s22] =	ssyncadd.s32 s3;
	_ =	sdelay $0x1  }
0xa1: {  	s23 =	simm.s32 $0x1B8B  }
0xa2: {  	_ =	swait.ge [sflag:s23], $0x1  }
0xa3: {  	[sflag:s23] =	ssyncset.done $0x0  }
0xa4: {  	s25 =	simm.s32 $0x1B8E;
	s24 =	sld [smem:$0x3FFE];
	[sflag:s23] =	ssyncadd.s32 $0xFFFFFFFF  }
0xa5: {  	s26 =	simm.s32 $execute0_lowered;
	[smem:$0x3FD2] =	sst s25  }
0xa6: {  	s4 =	sshll.u32 s26, $0x1;
	_ =	strace $0x8000004C;
	[dreg:$0x1] =	wrdreg $0xFFFFFFFF  }
0xa7: {  	s28 =	simm.s32 $_size_execute0_lowered;
	s2 =	sadd.s32 s2, s4;
	[dreg:$0x0] =	wrdreg $0x0  }
0xa8: {  	s4 =	sshll.u32 s28, $0x1;
	[dreg:$0x2] =	wrdreg s2  }
0xa9: {  	[dreg:$0x3] =	wrdreg s4  }
0xaa: {  	[dreg:$0x4] =	wrdreg $0xC0  }
0xab: {  	_ =	task [dreg:s6], $0x5FFFF  }
0xac: {  	[dreg:$0x1] =	wrdreg $0xFFFFFFFF  }
0xad: {  	[dreg:$0x0] =	wrdreg $0x60  }
0xae: {  	[dreg:$0x2] =	wrdreg s24  }
0xaf: {  	[dreg:$0x3] =	wrdreg $0x69000  }
0xb0: {  	[dreg:$0x4] =	wrdreg $0x9  }
0xb1: {  	_ =	task.clear_ibuf [dreg:s6], $0x5FFFF;
	_ =	strace $0x9000004C  }
0xb2: {  	s29 =	simm.s32 $0x9;
	_ =	strace $0x8000004E  }
0xb3: {  	_ =	swait.ge [sflag:s29], $0x1  }
0xb4: {  	[sflag:s29] =	ssyncadd.s32 $0xFFFFFFFF  }
0xb5: {  	_ =	strace $0x9000004E  }
0xb6: {  	_ =	sfence  }
0xb7: {  	s30 =	sld [smem:$0x0];
	_ =	sdelay $0x2  }
0xb8: {  	s31 =	sshll.u32 s1, $0xD;
	s1 =	sshrl.u32 s1, $0x2  }
0xb9: {  	s3 =	sand.u32 $0x4000, s31;
	s1 =	sadd.s32 s1, s30  }
0xba: {  	s0 =	sor.u32 s3, s0;
	s1 =	sshll.u32 s1, $0x11  }
0xbb: {  	s0 =	sor.u32 s1, s0  }
0xbc: {  	s0 =	sadd.s32 $0x8F2B, s0  }
0xbd: {  	[sflag:s0] =	ssyncadd.remote.s32 $0x1  }
0xbe: {  	_ =	sfence.sel $0xFFFF  }
0xbf: {  	[dreg:$0x0] =	wrdreg $0xFFFFFFFF;
	(pc) =	sbr.abs _section_cstart, $3  }
0xc0: {  	[dreg:$0x1] =	wrdreg $0xFFFFFFFF  }
0xc1: {  	_ =	task.clear_ibuf [dreg:s6], $0x2FFFF;
	_ =	strace $0x9FFFFFFF  }
0xc2: {  	(tm) =	ssettm $0x7FFFFFFF  }
0xc3: {  	_ =	shalt  }
tec
execute0_lowered:
.L_overlay_start_1:
0x0: {  	(tag) =	ssettag $0x1  }
0x1: {  	s5 =	rddreg [dreg:$0x0]  }
0x2: {  	s1 =	rddreg [dreg:$0x1]  }
0x3: {  	s4 =	srdreg.scid;
	s2 =	stileid.u32  }
0x4: {  	s3 =	simm.s32 $0x0;
	s20 =	simm.s32 $0x2900;
	s21 =	simm.s32 $0x2  }
0x5: {  	s22 =	simm.s32 $0x80;
	s23 =	simm.s32 $0x50;
	s24 =	simm.s32 $0x100  }
0x6: {  	s25 =	simm.s32 $0x1;
	s26 =	simm.s32 $0x0;
	s6 =	smul.u32 $0x4E20, s2  }
0x7: {  	s7 =	sand.u32 $0x1, s4;
	[smem:$0x7FF] =	sst s3;
	s29 =	smul.u32 $0x4E000, s2  }
0x8: {  	s4 =	sadd.s32 $0x16200, s5;
	s11 =	smul.u32 $0x13800, s2;
	s16 =	sadd.s32 $0x3D400, s5  }
0x9: {  	s10 =	sadd.s32 $0x138000, s1;
	p0 =	sne.s32 s2, $0x0;
	s8 =	smul.u32 $0x2710, s7  }
0xa: {  	_ =	strace $0x8000004D;
	s9 =	ssub.s32 $0x2, s7;
	s18 =	smul.u32 $0x138800, s7  }
0xb: {  	s30 =	sshrl.u32 s9, $0x1;
	s31 =	sshrl.u32 s29, $0x2;
	s12 =	sadd.s32 $0x4000, s11  }
0xc: {  	s13 =	sadd.s32 $0x8000, s11;
	s14 =	sadd.s32 $0xC000, s11;
	s15 =	sadd.s32 $0x10000, s11  }
0xd: {  	s6 =	sadd.s32 s8, s6;
	s17 =	ssub.s32 s9, s30;
	s7 =	sadd.s32 s13, s1  }
0xe: {  	s8 =	sadd.s32 s14, s1;
	s9 =	sadd.s32 s15, s1;
	s11 =	sadd.s32 s11, s18  }
0xf: {  	s13 =	sadd.s32 s18, s13;
	s14 =	sadd.s32 s18, s14;
	s15 =	sadd.s32 s18, s15  }
0x10: {  	s6 =	sshrl.u32 s6, $0x3;
	s11 =	sshrl.u32 s11, $0x3;
	s13 =	sshrl.u32 s13, $0x3  }
0x11: {  	s14 =	sshrl.u32 s14, $0x3;
	s15 =	sshrl.u32 s15, $0x3;
	s17 =	smax.u32 s17, $0x1  }
0x12: {  	s19 =	sadd.s32 s6, s5;
	s5 =	sadd.s32 s31, s1;
	s6 =	sadd.s32 s12, s1  }
0x13: {  	s12 =	sadd.s32 s18, s12;
	s11 =	sadd.s32 s16, s11;
	s13 =	sadd.s32 s16, s13  }
0x14: {  	s18 =	sshrl.u32 s18, $0x3;
	s14 =	sadd.s32 s16, s14;
	s12 =	sshrl.u32 s12, $0x3  }
0x15: {  	s15 =	sadd.s32 s16, s15;
	s12 =	sadd.s32 s16, s12;
	s16 =	sadd.s32 s16, s18  }
0x16: {  	v0 =	vimm.f32 $0.0e+00;
	s18 =	sadd.s32 $0xC400, s19;
	s19 =	sadd.s32 $0x2600, s19;
	s16 =	sadd.s32 $0x27000, s16  }
.LBB2_1:
0x17: {  	s28 =	simm.s32 $0x0;
	s29 =	simm.s32 $0x200  }
.LBB2_2:
0x18: {  	p1 =	sne.s32 s29, $0xFE00;
	[tilespmem:s28+$0x2970] =	vst v0  }
0x19: {  	[tilespmem:s28+$0x2900] =	vst v0  }
0x1a: {  	[tilespmem:s28+$0x2910] =	vst v0  }
.Ltmp0:
0x1b: {  	[tilespmem:s28+$0x2920] =	vst v0;
	(pc) =	sbr.rel @p1 .LBB2_2-.Ltmp0, $4  }
0x1c: {  	[tilespmem:s28+$0x2930] =	vst v0  }
0x1d: {  	[tilespmem:s28+$0x2940] =	vst v0  }
0x1e: {  	[tilespmem:s28+$0x2950] =	vst v0  }
0x1f: {  	[tilespmem:s28+$0x2960] =	vst v0;
	s28 =	sshra.s32 s29, $0x2;
	s29 =	sadd.s32 $0x200, s29  }
0x20: {  	[tilespmem:s28+$0x2970] =	vst v0  }
0x21: {  	[tilespmem:s28+$0x2900] =	vst v0  }
0x22: {  	[tilespmem:s28+$0x2910] =	vst v0  }
0x23: {  	[tilespmem:s28+$0x2920] =	vst v0  }
0x24: {  	[tilespmem:s28+$0x2930] =	vst v0  }
0x25: {  	[tilespmem:s28+$0x2940] =	vst v0  }
0x26: {  	[tilespmem:s28+$0x2950] =	vst v0  }
0x27: {  	[tilespmem:s28+$0x2960] =	vst v0  }
0x28: {  	[spmem:s5] =	stream.linear.scatter [tilespmem:s20], [sflag:$0x2], $0x4000, $0x38;
	[tilespmem:$0x1A180] =	vst v63  }
0x29: {  	_ =	swait.ge [sflag:s21], $0x4000  }
0x2a: {  	[sflag:s21] =	ssyncset.done $0x0  }
0x2b: {  	[sflag:s21] =	ssyncadd.s32 $0xFFFFC000  }
0x2c: {  	[spmem:s6] =	stream.linear.scatter [tilespmem:s20], [sflag:$0x2], $0x4000, $0x38;
	[tilespmem:$0x1A180] =	vst v63  }
0x2d: {  	_ =	swait.ge [sflag:s21], $0x4000  }
0x2e: {  	[sflag:s21] =	ssyncset.done $0x0  }
0x2f: {  	[sflag:s21] =	ssyncadd.s32 $0xFFFFC000  }
0x30: {  	[spmem:s7] =	stream.linear.scatter [tilespmem:s20], [sflag:$0x2], $0x4000, $0x38;
	[tilespmem:$0x1A180] =	vst v63  }
0x31: {  	_ =	swait.ge [sflag:s21], $0x4000  }
0x32: {  	[sflag:s21] =	ssyncset.done $0x0  }
0x33: {  	[sflag:s21] =	ssyncadd.s32 $0xFFFFC000  }
0x34: {  	[spmem:s8] =	stream.linear.scatter [tilespmem:s20], [sflag:$0x2], $0x4000, $0x38;
	[tilespmem:$0x1A180] =	vst v63  }
0x35: {  	_ =	swait.ge [sflag:s21], $0x4000  }
0x36: {  	[sflag:s21] =	ssyncset.done $0x0  }
0x37: {  	[sflag:s21] =	ssyncadd.s32 $0xFFFFC000  }
0x38: {  	[spmem:s9] =	stream.linear.scatter [tilespmem:s20], [sflag:$0x2], $0x3800, $0x38;
	[tilespmem:$0x1A180] =	vst v63  }
0x39: {  	_ =	swait.ge [sflag:s21], $0x3800  }
0x3a: {  	[sflag:s21] =	ssyncset.done $0x0  }
0x3b: {  	s28 =	simm.s32 @!p0 $0x2900;
	[sflag:s21] =	ssyncadd.s32 $0xFFFFC800  }
0x3c: {  	[spmem:s10] =	stream.linear.scatter @!p0 [tilespmem:s28], [sflag:$0x2], $0x800, $0x38;
	[tilespmem:$0x1A180] =	vst v63  }
0x3d: {  	s28 =	simm.s32 @!p0 $0x2  }
0x3e: {  	_ =	swait.ge @!p0 [sflag:s28], $0x800  }
0x3f: {  	[sflag:s28] =	ssyncset.done @!p0 $0x0  }
0x40: {  	[sflag:s28] =	ssyncadd.s32 @!p0 $0xFFFFF800  }
0x41: {  	s28 =	sadd.s32 $0x0, s19;
	[bflag:$0x0] =	sbarrier.arrive $0xFFFF  }
0x42: {  	[tilespmem:s3], [sflag:$0x2] =	stream.linear.gather [hbm4b:s28+s3], $0x50, $0x38;
	[tilespmem:$0x1A180] =	vst v63  }
0x43: {  	_ =	swait.ge [sflag:s21], $0x50  }
0x44: {  	[sflag:s21] =	ssyncset.done $0x0  }
0x45: {  	s28 =	sadd.s32 $0x0, s18;
	[sflag:s21] =	ssyncadd.s32 $0xFFFFFFB0  }
0x46: {  	[tilespmem:s22], [sflag:$0x2] =	stream.linear.gather [hbm4b:s28+s3], $0x50, $0x38;
	[tilespmem:$0x1A180] =	vst v63  }
0x47: {  	_ =	swait.ge [sflag:s21], $0x50  }
0x48: {  	[sflag:s21] =	ssyncset.done $0x0  }
0x49: {  	[sflag:s21] =	ssyncadd.s32 $0xFFFFFFB0  }
0x4a: {  	[tilespmem:s24], [sflag:$0x1] =	stream.indirect.gather [hbm4b:s4+s23], $0x80, s3, s23, $0xb8;
	[tilespmem:$0x1A180] =	vst v63  }
0x4b: {  	_ =	swait.ge [sflag:s25], $0x2800  }
0x4c: {  	[sflag:s25] =	ssyncset.done $0x0  }
0x4d: {  	[sflag:s25] =	ssyncadd.s32 $0xFFFFD800  }
0x4e: {  	[spmem:s1] =	stream.indirect.scatter.add.f32 [tilespmem:s24], [sflag:$0x2], $0x80, s22, s23, $0xb8;
	[tilespmem:$0x1A180] =	vst v63  }
0x4f: {  	_ =	swait.ge [sflag:s21], $0x2800  }
0x50: {  	s29 =	simm.s32 $0x14;
	s28 =	simm.s32 $0xA;
	[sflag:s21] =	ssyncset.done $0x0  }
.LBB2_4:
0x51: {  	s30 =	sadd.s32 s28, s19  }
0x52: {  	[sflag:s21] =	ssyncadd.s32 $0xFFFFD800;
	s31 =	smov.u32 s29;
	s0 =	sadd.s32 $0xA, s29  }
0x53: {  	[tilespmem:s3], [sflag:$0x2] =	stream.linear.gather [hbm4b:s30+s3], $0x50, $0x38;
	[tilespmem:$0x1A180] =	vst v63  }
0x54: {  	p1 =	sne.s32 s29, $0x4D8;
	_ =	swait.ge [sflag:s21], $0x50  }
0x55: {  	[sflag:s21] =	ssyncset.done $0x0  }
0x56: {  	s29 =	sadd.s32 s28, s18;
	s28 =	smov.u32 s31;
	[sflag:s21] =	ssyncadd.s32 $0xFFFFFFB0  }
0x57: {  	[tilespmem:s22], [sflag:$0x2] =	stream.linear.gather [hbm4b:s29+s3], $0x50, $0x38;
	[tilespmem:$0x1A180] =	vst v63  }
0x58: {  	_ =	swait.ge [sflag:s21], $0x50  }
0x59: {  	[sflag:s21] =	ssyncset.done $0x0  }
0x5a: {  	[sflag:s21] =	ssyncadd.s32 $0xFFFFFFB0  }
0x5b: {  	[tilespmem:s24], [sflag:$0x1] =	stream.indirect.gather [hbm4b:s4+s23], $0x80, s3, s23, $0xb8;
	[tilespmem:$0x1A180] =	vst v63  }
0x5c: {  	_ =	swait.ge [sflag:s25], $0x2800  }
.Ltmp1:
0x5d: {  	[sflag:s25] =	ssyncset.done $0x0;
	(pc) =	sbr.rel @p1 .LBB2_4-.Ltmp1, $4  }
0x5e: {  	[sflag:s25] =	ssyncadd.s32 $0xFFFFD800  }
0x5f: {  	[spmem:s1] =	stream.indirect.scatter.add.f32 [tilespmem:s24], [sflag:$0x2], $0x80, s22, s23, $0xb8;
	[tilespmem:$0x1A180] =	vst v63  }
0x60: {  	_ =	swait.ge [sflag:s21], $0x2800  }
0x61: {  	s29 =	smov.u32 s0;
	[sflag:s21] =	ssyncset.done $0x0  }
0x62: {  	s0 =	sadd.s32 s28, s19;
	[sflag:s21] =	ssyncadd.s32 $0xFFFFD800  }
0x63: {  	[tilespmem:s3], [sflag:$0x2] =	stream.linear.gather [hbm4b:s0+s3], $0x50, $0x38;
	[tilespmem:$0x1A180] =	vst v63  }
0x64: {  	_ =	swait.ge [sflag:s21], $0x50  }
0x65: {  	[sflag:s21] =	ssyncset.done $0x0  }
0x66: {  	s28 =	sadd.s32 s28, s18;
	[sflag:s21] =	ssyncadd.s32 $0xFFFFFFB0  }
0x67: {  	[tilespmem:s22], [sflag:$0x2] =	stream.linear.gather [hbm4b:s28+s3], $0x50, $0x38;
	[tilespmem:$0x1A180] =	vst v63  }
0x68: {  	_ =	swait.ge [sflag:s21], $0x50  }
0x69: {  	[sflag:s21] =	ssyncset.done $0x0  }
0x6a: {  	[sflag:s21] =	ssyncadd.s32 $0xFFFFFFB0  }
0x6b: {  	[tilespmem:s24], [sflag:$0x1] =	stream.indirect.gather [hbm4b:s4+s23], $0x80, s3, s23, $0xb8;
	[tilespmem:$0x1A180] =	vst v63  }
0x6c: {  	_ =	swait.ge [sflag:s25], $0x2800  }
0x6d: {  	[sflag:s25] =	ssyncset.done $0x0  }
0x6e: {  	[sflag:s25] =	ssyncadd.s32 $0xFFFFD800  }
0x6f: {  	[spmem:s1] =	stream.indirect.scatter.add.f32 [tilespmem:s24], [sflag:$0x2], $0x80, s22, s23, $0xb8;
	[tilespmem:$0x1A180] =	vst v63  }
0x70: {  	_ =	swait.ge [sflag:s21], $0x2800  }
0x71: {  	[sflag:s21] =	ssyncset.done $0x0  }
0x72: {  	s29 =	sshll.u32 s2, $0x6;
	[sflag:s21] =	ssyncadd.s32 $0xFFFFD800  }
0x73: {  	s30 =	sshrl.u32 s5, $0x3;
	s0 =	sor.u32 $0x1C02, s29;
	[bflag:$0x0] =	sbarrier.arrive $0xFFFF  }
0x74: {  	[hbm:s11], [sflag:s0] =	dma.local [spmem:s30], $0x800  }
0x75: {  	_ =	swait.ge [sflag:s21], $0x800  }
0x76: {  	[sflag:s21] =	ssyncset.done $0x0  }
0x77: {  	s31 =	sshrl.u32 s6, $0x3;
	[sflag:s21] =	ssyncadd.s32 $0xFFFFF800  }
0x78: {  	[hbm:s12], [sflag:s0] =	dma.local [spmem:s31], $0x800  }
0x79: {  	_ =	swait.ge [sflag:s21], $0x800  }
0x7a: {  	[sflag:s21] =	ssyncset.done $0x0  }
0x7b: {  	s29 =	sshrl.u32 s7, $0x3;
	[sflag:s21] =	ssyncadd.s32 $0xFFFFF800  }
0x7c: {  	[hbm:s13], [sflag:s0] =	dma.local [spmem:s29], $0x800  }
0x7d: {  	_ =	swait.ge [sflag:s21], $0x800  }
0x7e: {  	[sflag:s21] =	ssyncset.done $0x0  }
0x7f: {  	s30 =	sshrl.u32 s8, $0x3;
	[sflag:s21] =	ssyncadd.s32 $0xFFFFF800  }
0x80: {  	[hbm:s14], [sflag:s0] =	dma.local [spmem:s30], $0x800  }
0x81: {  	_ =	swait.ge [sflag:s21], $0x800  }
0x82: {  	[sflag:s21] =	ssyncset.done $0x0  }
0x83: {  	s31 =	sshrl.u32 s9, $0x3;
	[sflag:s21] =	ssyncadd.s32 $0xFFFFF800  }
0x84: {  	[hbm:s15], [sflag:s0] =	dma.local [spmem:s31], $0x700  }
0x85: {  	_ =	swait.ge [sflag:s21], $0x700  }
0x86: {  	s26 =	sadd.s32 $0x1, s26;
	[sflag:s21] =	ssyncset.done $0x0  }
0x87: {  	p1 =	sne.s32 s26, s17;
	s28 =	sshrl.u32 @!p0 s10, $0x3;
	[sflag:s21] =	ssyncadd.s32 $0xFFFFF900  }
0x88: {  	[hbm:s16], [sflag:s0] =	dma.local @!p0 [spmem:s28], $0x100  }
.Ltmp2:
0x89: {  	_ = 	snop;
	(pc) =	sbr.rel @p1 .LBB2_1-.Ltmp2, $4  }
0x8a: {  	s0 =	simm.s32 @!p0 $0x2  }
0x8b: {  	_ =	swait.ge @!p0 [sflag:s0], $0x100  }
0x8c: {  	[sflag:s0] =	ssyncset.done @!p0 $0x0  }
0x8d: {  	[sflag:s0] =	ssyncadd.s32 @!p0 $0xFFFFFF00  }
0x8e: {  	_ =	sfence.sel $0x180000  }
0x8f: {  	[bflag:$0x0] =	sbarrier.arrive $0xFFFF  }
0x90: {  	_ =	strace $0x9000004D  }
0x91: {  	[bflag:$0x2] =	sbarrier.arrive $0xFFFF  }
0x92: {  	s0 =	rddreg [dreg:$0x2]  }
0x93: {  	s0 =	sadd.s32 @!p0 $0x100000, s0  }
0x94: {  	[sflag:s0] =	ssyncadd.tile.s32 @!p0 $0x1;
	_ =	shalt  }
.Lfunc_end2:
_tile_overlayer_lowered:
.L_overlay_start_2:
0x95: {  	(tag) =	ssettag $0x2  }
0x96: {  	s0 =	rddreg [dreg:$0x0];
	s2 =	stileid.u32  }
0x97: {  	s1 =	rddreg [dreg:$0x1];
	p0 =	sne.s32 s2, $0x0  }
0x98: {  	s3 =	rddreg [dreg:$0x2];
	[bflag:$0x3] =	sbarrier.arrive $0xFFFF;
	s2 =	simm.s32 @!p0 $0x1C02  }
0x99: {  	[timem:s3], [sflag:s2] =	dma.local @!p0 [hbm:s0], s1  }
0x9a: {  	s0 =	simm.s32 @!p0 $0x2  }
0x9b: {  	_ =	swait.ge @!p0 [sflag:s0], s1  }
0x9c: {  	s1 =	ssub.s32 @!p0 $0x0, s1;
	[sflag:s0] =	ssyncset.done @!p0 $0x0  }
0x9d: {  	[sflag:s0] =	ssyncadd.s32 @!p0 s1  }
0x9e: {  	[bflag:$0x3] =	sbarrier.arrive $0xFFFF  }
0x9f: {  	_ =	shalt  }

// kernel: kernel.8.cloned.1.call-start
scs
__scs_entry_jumppad:
0x0: {  	(pc) =	sbr.rel $0x88, $3  }
0x1: {  	(tag) =	ssettag $0x0;
	lr =	simm.s32 $0x1  }
0x2: {  	[smem:$0x3F99] =	sst lr;
	_ =	strace $0xD0000000  }
0x3: {  	_ = 	snop  }
0x4: {  	_ = 	snop  }
0x5: {  	_ = 	snop  }
0x6: {  	_ = 	snop  }
0x7: {  	_ = 	snop  }
__scs_overlays_trampoline_lowered:
0x8: {  	[smem:$0x3FA8] =	sst s0  }
0x9: {  	[smem:$0x3FA9] =	sst s1  }
0xa: {  	[smem:$0x3FAA] =	sst s2  }
0xb: {  	[smem:$0x3FAB] =	sst s3  }
0xc: {  	[smem:$0x3FAC] =	sst s4  }
0xd: {  	[smem:$0x3FAD] =	sst s5  }
0xe: {  	[smem:$0x3FAE] =	sst s6  }
0xf: {  	[smem:$0x3FAF] =	sst s7  }
0x10: {  	[smem:$0x3FB0] =	sst s8  }
0x11: {  	[smem:$0x3FB1] =	sst s9;
	s0 =	simm.s32 @!p0 $0x0  }
0x12: {  	s1 =	sld [smem:$0x3F97];
	s0 =	simm.s32 @p0 $0x1  }
0x13: {  	[smem:$0x3FB2] =	sst s0;
	s0 =	simm.s32 @!p1 $0x0  }
0x14: {  	s2 =	sld [smem:$0x3F96];
	s0 =	simm.s32 @p1 $0x1  }
0x15: {  	[smem:$0x3FB3] =	sst s0;
	s0 =	simm.s32 @!p2 $0x0  }
0x16: {  	s3 =	sld [smem:$0x3FDB];
	s0 =	simm.s32 @p2 $0x1  }
0x17: {  	s4 =	simm.s32 $0x1BF5;
	[smem:$0x3FB5] =	sst s0  }
0x18: {  	s0 =	sld [smem:$0x3F98];
	_ =	swait.ge [sflag:s4], $0x0  }
0x19: {  	s7 =	sld [smem:$0x3F99]  }
0x1a: {  	s8 =	sadd.s32 $0xFFFFE003, lr  }
0x1b: {  	s9 =	sadd.s32 $0xFFFFFEF7, lr;
	s5 =	simm.s32 $0xFFFFFFFF;
	p2 =	slt.u32 s8, $0xFFFFF086  }
0x1c: {  	p1 =	slt.u32 s9, $0xF7A;
	s5 =	simm.s32 @!p2 $0x0  }
0x1d: {  	s5 =	simm.s32 @p1 $0x1;
	p0 =	seq.s32 s7, s2  }
0x1e: {  	s7 =	smul.u32 @!p0 $0xF7A, s2;
	p2 =	seq.s32 @!p0 s5, $0x0  }
0x1f: {  	s9 =	smul.u32 $0xF7A, s1;
	s8 =	simm.s32 @!p0 $0x1BF5;
	p2 =	por !p2, p0  }
0x20: {  	[sflag:s8] =	ssyncset.s32 @!p0 $0xFFFFF086;
	s6 =	sadd.s32 @!p0 s3, s7;
	s7 =	simm.s32 @!p0 $0x108  }
0x21: {  	s3 =	sadd.s32 s3, s9;
	s6 =	sadd.s32 @!p0 $0x88, s6;
	s7 =	simm.s32 @p2 $0x1082  }
0x22: {  	[simem:s7], [sflag:s8] =	dma.local @!p0 [hbm:s6], $0xF7A  }
0x23: {  	s9 =	sor.u32 $0xD0000000, s2;
	s6 =	simm.s32 $0x108;
	_ =	swait.ge @!p0 [sflag:s8], $0x0  }
0x24: {  	s3 =	sadd.s32 $0x88, s3;
	s6 =	simm.s32 @!p1 $0x1082;
	[sflag:s4] =	ssyncset.s32 $0xFFFFF086  }
0x25: {  	[simem:s6], [sflag:s4] =	dma.local [hbm:s3], $0xF7A  }
0x26: {  	[smem:$0x3F99] =	sst s1;
	(tag) =	ssettag s2;
	_ =	strace s9  }
0x27: {  	s1 =	sld [smem:$0x3FA9]  }
0x28: {  	s2 =	sld [smem:$0x3FAA]  }
0x29: {  	s4 =	sld [smem:$0x3FAC]  }
0x2a: {  	p0 =	seq.s32 s5, $0x0;
	s5 =	sld [smem:$0x3FAD]  }
0x2b: {  	s6 =	sld [smem:$0x3FAE]  }
0x2c: {  	s7 =	sld [smem:$0x3FAF]  }
0x2d: {  	s3 =	simm.s32 $0x108;
	s8 =	sld [smem:$0x3FB0]  }
0x2e: {  	s3 =	simm.s32 @!p0 $0x1082;
	s9 =	sld [smem:$0x3FB1]  }
0x2f: {  	lr =	sadd.s32 s0, s3;
	s0 =	sld [smem:$0x3FA8]  }
0x30: {  	s3 =	sld [smem:$0x3FAB]  }
0x31: {  	[smem:$0x3FB4] =	sst s10  }
0x32: {  	s10 =	sld [smem:$0x3FB2];
	_ =	sdelay $0x3  }
0x33: {  	p0 =	seq.s32 s10, $0x1;
	s10 =	sld [smem:$0x3FB4];
	_ =	sdelay $0x3  }
0x34: {  	[smem:$0x3FB4] =	sst s10  }
0x35: {  	s10 =	sld [smem:$0x3FB3];
	_ =	sdelay $0x3  }
0x36: {  	p1 =	seq.s32 s10, $0x1;
	s10 =	sld [smem:$0x3FB4];
	_ =	sdelay $0x3  }
0x37: {  	[smem:$0x3FB4] =	sst s10  }
0x38: {  	s10 =	sld [smem:$0x3FB5]  }
0x39: {  	_ = 	snop;
	(pc) =	sbr.ind lr, $3  }
0x3a: {  	_ = 	snop  }
0x3b: {  	_ = 	snop  }
0x3c: {  	p2 =	seq.s32 s10, $0x1;
	s10 =	sld [smem:$0x3FB4]  }
0x3d: {  	_ =	shalt  }
0x3e: {  	_ =	shalt  }
0x3f: {  	_ =	shalt  }
0x40: {  	_ =	shalt  }
0x41: {  	_ =	shalt  }
0x42: {  	_ =	shalt  }
0x43: {  	_ =	shalt  }
0x44: {  	_ =	shalt  }
0x45: {  	_ =	shalt  }
0x46: {  	_ =	shalt  }
0x47: {  	_ =	shalt  }
0x48: {  	_ =	shalt  }
0x49: {  	_ =	shalt  }
0x4a: {  	_ =	shalt  }
0x4b: {  	_ =	shalt  }
0x4c: {  	_ =	shalt  }
0x4d: {  	_ =	shalt  }
0x4e: {  	_ =	shalt  }
0x4f: {  	_ =	shalt  }
0x50: {  	_ =	shalt  }
0x51: {  	_ =	shalt  }
0x52: {  	_ =	shalt  }
0x53: {  	_ =	shalt  }
0x54: {  	_ =	shalt  }
0x55: {  	_ =	shalt  }
0x56: {  	_ =	shalt  }
0x57: {  	_ =	shalt  }
0x58: {  	_ =	shalt  }
0x59: {  	_ =	shalt  }
0x5a: {  	_ =	shalt  }
0x5b: {  	_ =	shalt  }
0x5c: {  	_ =	shalt  }
0x5d: {  	_ =	shalt  }
0x5e: {  	_ =	shalt  }
0x5f: {  	_ =	shalt  }
0x60: {  	_ =	shalt  }
0x61: {  	_ =	shalt  }
0x62: {  	_ =	shalt  }
0x63: {  	_ =	shalt  }
0x64: {  	_ =	shalt  }
0x65: {  	_ =	shalt  }
0x66: {  	_ =	shalt  }
0x67: {  	_ =	shalt  }
0x68: {  	_ =	shalt  }
0x69: {  	_ =	shalt  }
0x6a: {  	_ =	shalt  }
0x6b: {  	_ =	shalt  }
0x6c: {  	_ =	shalt  }
0x6d: {  	_ =	shalt  }
0x6e: {  	_ =	shalt  }
0x6f: {  	_ =	shalt  }
0x70: {  	_ =	shalt  }
0x71: {  	_ =	shalt  }
0x72: {  	_ =	shalt  }
0x73: {  	_ =	shalt  }
0x74: {  	_ =	shalt  }
0x75: {  	_ =	shalt  }
0x76: {  	_ =	shalt  }
0x77: {  	_ =	shalt  }
0x78: {  	_ =	shalt  }
0x79: {  	_ =	shalt  }
0x7a: {  	_ =	shalt  }
0x7b: {  	_ =	shalt  }
0x7c: {  	_ =	shalt  }
0x7d: {  	_ =	shalt  }
0x7e: {  	_ =	shalt  }
0x7f: {  	_ =	shalt  }
0x80: {  	_ =	shalt  }
0x81: {  	_ =	shalt  }
0x82: {  	_ =	shalt  }
0x83: {  	_ =	shalt  }
0x84: {  	_ =	shalt  }
0x85: {  	_ =	shalt  }
0x86: {  	_ =	shalt  }
0x87: {  	_ =	shalt  }
.Lfunc_end0:
.L_simem_size_0:
called_computation_lowered:
.L_overlay_start_0:
0x88: {  	s2 =	sld [smem:$0x3FD9]  }
0x89: {  	s3 =	sld [smem:$0x3FFE];
	_ =	sdelay $0x1  }
0x8a: {  	s1 =	srdreg.scid  }
0x8b: {  	s0 =	sand.u32 $0x1, s1  }
0x8c: {  	s17 =	sshll.u32 s0, $0xA;
	s2 =	sadd.s32 s3, s2  }
0x8d: {  	s2 =	sadd.s32 s2, s17  }
0x8e: {  	[smem:$0x3FC0] =	sst s2  }
0x8f: {  	_ = 	snop  }
0x90: {  	s2 =	sld [smem:$0x3FD0];
	(tm) =	ssettm $0x1  }
0x91: {  	s18 =	sld [smem:$0x3FFB];
	_ =	sdelay $0x3  }
0x92: {  	_ =	strace s18  }
0x93: {  	s3 =	sld [smem:$0x3FFC];
	_ =	sdelay $0x3  }
0x94: {  	_ =	strace s3  }
0x95: {  	s3 =	sld [smem:$0x3FFD];
	_ =	sdelay $0x3  }
0x96: {  	_ =	strace s3  }
0x97: {  	_ =	strace $0x8FFFFFFF  }
0x98: {  	s19 =	sld [smem:$0x3FDB];
	_ =	sdelay $0x1  }
0x99: {  	s4 =	simm.s32 $_scs_section_size  }
0x9a: {  	s5 =	simm.s32 $_size__tile_overlayer_lowered;
	s6 =	simm.s32 $_tile_overlayer_lowered  }
0x9b: {  	s22 =	simm.s32 $0x1BFF;
	s21 =	sshll.u32 s6, $0x1;
	s3 =	sadd.s32 s4, s19  }
0x9c: {  	s7 =	simm.s32 $0x0;
	s20 =	sshll.u32 s5, $0x1;
	s5 =	sadd.s32 s21, s3  }
0x9d: {  	[timem:s7], [sflag:s22] =	dma.local [hbm:s5], s20  }
0x9e: {  	_ =	swait.ge [sflag:s22], s20  }
0x9f: {  	s4 =	ssub.s32 $0x0, s20;
	[sflag:s22] =	ssyncset.done $0x0  }
0xa0: {  	[sflag:s22] =	ssyncadd.s32 s4;
	_ =	sdelay $0x1  }
0xa1: {  	s23 =	simm.s32 $0x1B8B  }
0xa2: {  	_ =	swait.ge [sflag:s23], $0x1  }
0xa3: {  	[sflag:s23] =	ssyncset.done $0x0  }
0xa4: {  	s25 =	simm.s32 $0x1B8E;
	s24 =	sld [smem:$0x3FFE];
	[sflag:s23] =	ssyncadd.s32 $0xFFFFFFFF  }
0xa5: {  	s26 =	simm.s32 $execute0_lowered;
	[smem:$0x3FD2] =	sst s25  }
0xa6: {  	s5 =	sshll.u32 s26, $0x1;
	_ =	strace $0x80000046;
	[dreg:$0x1] =	wrdreg $0xFFFFFFFF  }
0xa7: {  	s28 =	simm.s32 $_size_execute0_lowered;
	s3 =	sadd.s32 s3, s5;
	[dreg:$0x0] =	wrdreg $0x0  }
0xa8: {  	s5 =	sshll.u32 s28, $0x1;
	[dreg:$0x2] =	wrdreg s3  }
0xa9: {  	[dreg:$0x3] =	wrdreg s5  }
0xaa: {  	[dreg:$0x4] =	wrdreg $0xC0  }
0xab: {  	_ =	task [dreg:s7], $0x5FFFF  }
0xac: {  	[dreg:$0x1] =	wrdreg $0xFFFFFFFF  }
0xad: {  	[dreg:$0x0] =	wrdreg $0x60  }
0xae: {  	[dreg:$0x2] =	wrdreg s24  }
0xaf: {  	[dreg:$0x3] =	wrdreg s2  }
0xb0: {  	[dreg:$0x4] =	wrdreg $0x5000  }
0xb1: {  	[dreg:$0x5] =	wrdreg $0x9  }
0xb2: {  	_ =	task.clear_ibuf [dreg:s7], $0x6FFFF;
	_ =	strace $0x90000046  }
0xb3: {  	s29 =	simm.s32 $0x9;
	_ =	strace $0x80000048  }
0xb4: {  	_ =	swait.ge [sflag:s29], $0x1  }
0xb5: {  	[sflag:s29] =	ssyncadd.s32 $0xFFFFFFFF  }
0xb6: {  	_ =	strace $0x90000048  }
0xb7: {  	_ =	sfence  }
0xb8: {  	s30 =	sld [smem:$0x0];
	_ =	sdelay $0x2  }
0xb9: {  	s31 =	sshll.u32 s1, $0xD;
	s1 =	sshrl.u32 s1, $0x2  }
0xba: {  	s3 =	sand.u32 $0x4000, s31;
	s1 =	sadd.s32 s1, s30  }
0xbb: {  	s0 =	sor.u32 s3, s0;
	s1 =	sshll.u32 s1, $0x11  }
0xbc: {  	s0 =	sor.u32 s1, s0  }
0xbd: {  	s0 =	sadd.s32 $0x8F2B, s0  }
0xbe: {  	[sflag:s0] =	ssyncadd.remote.s32 $0x1  }
0xbf: {  	_ =	sfence.sel $0xFFFF  }
0xc0: {  	[dreg:$0x0] =	wrdreg $0xFFFFFFFF;
	(pc) =	sbr.abs _section_cstart, $3  }
0xc1: {  	[dreg:$0x1] =	wrdreg $0xFFFFFFFF  }
0xc2: {  	_ =	task.clear_ibuf [dreg:s7], $0x2FFFF;
	_ =	strace $0x9FFFFFFF  }
0xc3: {  	(tm) =	ssettm $0x7FFFFFFF  }
tec
execute0_lowered:
.L_overlay_start_1:
0x0: {  	(tag) =	ssettag $0x1  }
0x1: {  	s3 =	rddreg [dreg:$0x0];
	s0 =	srdreg.scid  }
0x2: {  	s15 =	stileid.u32;
	s4 =	rddreg [dreg:$0x1]  }
0x3: {  	s1 =	rddreg [dreg:$0x2];
	s2 =	simm.s32 $0x0;
	s16 =	simm.s32 $0x50  }
0x4: {  	s17 =	simm.s32 $0x80;
	s5 =	sand.u32 $0x1, s0;
	s0 =	rddreg [dreg:$0x3]  }
0x5: {  	s19 =	simm.s32 $0x0;
	s6 =	smul.u32 $0x4E20, s15;
	[smem:$0x7FF] =	sst s2  }
0x6: {  	s9 =	sadd.s32 $0x1000, s1;
	s10 =	sadd.s32 $0x1400, s1;
	s11 =	sadd.s32 $0x1800, s1  }
0x7: {  	s12 =	sadd.s32 $0x1C00, s1;
	s13 =	sadd.s32 $0x2000, s1;
	p0 =	sne.s32 s15, $0x0  }
0x8: {  	s15 =	simm.s32 $0x1;
	s7 =	smul.u32 $0x2710, s5;
	s30 =	ssub.s32 $0x2, s5  }
0x9: {  	_ =	strace $0x80000047;
	s5 =	sshll.u32 s5, $0x4;
	s18 =	sshrl.u32 @!p0 s1, $0x3  }
0xa: {  	s8 =	sshrl.u32 s30, $0x1;
	s4 =	sadd.s32 s4, s5;
	s6 =	sadd.s32 s7, s6  }
0xb: {  	s31 =	ssub.s32 s30, s8;
	s7 =	sadd.s32 $0x800, s1;
	s6 =	sshrl.u32 s6, $0x3  }
0xc: {  	s8 =	sadd.s32 $0xC00, s1;
	s5 =	smax.u32 s31, $0x1;
	s14 =	sadd.s32 s6, s3  }
0xd: {  	v0 =	vimm.f32 $0.0e+00;
	v1 =	vimm.f32 $1.000000000e+00;
	s3 =	sadd.s32 $0x2400, s1;
	s6 =	sadd.s32 $0x400, s1;
	s14 =	sadd.s32 $0xC400, s14  }
.LBB2_1:
0xe: {  	s20 =	simm.s32 $0x40;
	s21 =	simm.s32 $0x0  }
.LBB2_2:
0xf: {  	p1 =	sne.s32 s20, $0xFC0;
	[tilespmem:s21+$0x100] =	vst v0;
	s21 =	smov.u32 s20;
	s20 =	sadd.s32 $0x40, s20  }
.Ltmp0:
0x10: {  	(pc) =	sbr.rel @p1 .LBB2_2-.Ltmp0, $2  }
0x11: {  	_ =	sdelay $0x2  }
0x12: {  	s21 =	sshra.s32 s21, $0x2  }
0x13: {  	[tilespmem:s21+$0x100] =	vst v0  }
0x14: {  	[tilespmem:$0x80] =	vst v1  }
0x15: {  	[tilespmem:$0x90] =	vst v1  }
0x16: {  	[tilespmem:$0xA0] =	vst v1  }
0x17: {  	[tilespmem:$0xB0] =	vst v1  }
0x18: {  	s20 =	simm.s32 @!p0 $0x100;
	s21 =	simm.s32 @!p0 $0x1;
	[tilespmem:$0xC0] =	vst v1  }
0x19: {  	[spmem:s1] =	stream.linear.scatter @!p0 [tilespmem:s20], [sflag:$0x1], $0x400, $0x38;
	[tilespmem:$0x778] =	vst v63  }
0x1a: {  	_ =	swait.ge @!p0 [sflag:s21], $0x400  }
0x1b: {  	[sflag:s21] =	ssyncset.done @!p0 $0x0  }
0x1c: {  	[sflag:s21] =	ssyncadd.s32 @!p0 $0xFFFFFC00  }
0x1d: {  	[spmem:s6] =	stream.linear.scatter @!p0 [tilespmem:s20], [sflag:$0x1], $0x400, $0x38;
	[tilespmem:$0x778] =	vst v63  }
0x1e: {  	_ =	swait.ge @!p0 [sflag:s21], $0x400  }
0x1f: {  	[sflag:s21] =	ssyncset.done @!p0 $0x0  }
0x20: {  	[sflag:s21] =	ssyncadd.s32 @!p0 $0xFFFFFC00  }
0x21: {  	[spmem:s7] =	stream.linear.scatter @!p0 [tilespmem:s20], [sflag:$0x1], $0x400, $0x38;
	[tilespmem:$0x778] =	vst v63  }
0x22: {  	_ =	swait.ge @!p0 [sflag:s21], $0x400  }
0x23: {  	[sflag:s21] =	ssyncset.done @!p0 $0x0  }
0x24: {  	[sflag:s21] =	ssyncadd.s32 @!p0 $0xFFFFFC00  }
0x25: {  	[spmem:s8] =	stream.linear.scatter @!p0 [tilespmem:s20], [sflag:$0x1], $0x400, $0x38;
	[tilespmem:$0x778] =	vst v63  }
0x26: {  	_ =	swait.ge @!p0 [sflag:s21], $0x400  }
0x27: {  	[sflag:s21] =	ssyncset.done @!p0 $0x0  }
0x28: {  	[sflag:s21] =	ssyncadd.s32 @!p0 $0xFFFFFC00  }
0x29: {  	[spmem:s9] =	stream.linear.scatter @!p0 [tilespmem:s20], [sflag:$0x1], $0x400, $0x38;
	[tilespmem:$0x778] =	vst v63  }
0x2a: {  	_ =	swait.ge @!p0 [sflag:s21], $0x400  }
0x2b: {  	[sflag:s21] =	ssyncset.done @!p0 $0x0  }
0x2c: {  	[sflag:s21] =	ssyncadd.s32 @!p0 $0xFFFFFC00  }
0x2d: {  	[spmem:s10] =	stream.linear.scatter @!p0 [tilespmem:s20], [sflag:$0x1], $0x400, $0x38;
	[tilespmem:$0x778] =	vst v63  }
0x2e: {  	_ =	swait.ge @!p0 [sflag:s21], $0x400  }
0x2f: {  	[sflag:s21] =	ssyncset.done @!p0 $0x0  }
0x30: {  	[sflag:s21] =	ssyncadd.s32 @!p0 $0xFFFFFC00  }
0x31: {  	[spmem:s11] =	stream.linear.scatter @!p0 [tilespmem:s20], [sflag:$0x1], $0x400, $0x38;
	[tilespmem:$0x778] =	vst v63  }
0x32: {  	_ =	swait.ge @!p0 [sflag:s21], $0x400  }
0x33: {  	[sflag:s21] =	ssyncset.done @!p0 $0x0  }
0x34: {  	[sflag:s21] =	ssyncadd.s32 @!p0 $0xFFFFFC00  }
0x35: {  	[spmem:s12] =	stream.linear.scatter @!p0 [tilespmem:s20], [sflag:$0x1], $0x400, $0x38;
	[tilespmem:$0x778] =	vst v63  }
0x36: {  	_ =	swait.ge @!p0 [sflag:s21], $0x400  }
0x37: {  	[sflag:s21] =	ssyncset.done @!p0 $0x0  }
0x38: {  	[sflag:s21] =	ssyncadd.s32 @!p0 $0xFFFFFC00  }
0x39: {  	[spmem:s13] =	stream.linear.scatter @!p0 [tilespmem:s20], [sflag:$0x1], $0x400, $0x38;
	[tilespmem:$0x778] =	vst v63  }
0x3a: {  	_ =	swait.ge @!p0 [sflag:s21], $0x400  }
0x3b: {  	[sflag:s21] =	ssyncset.done @!p0 $0x0  }
0x3c: {  	[sflag:s21] =	ssyncadd.s32 @!p0 $0xFFFFFC00  }
0x3d: {  	[spmem:s3] =	stream.linear.scatter @!p0 [tilespmem:s20], [sflag:$0x1], $0x310, $0x38;
	[tilespmem:$0x778] =	vst v63  }
0x3e: {  	_ =	swait.ge @!p0 [sflag:s21], $0x310  }
0x3f: {  	[sflag:s21] =	ssyncset.done @!p0 $0x0  }
0x40: {  	[sflag:s21] =	ssyncadd.s32 @!p0 $0xFFFFFCF0  }
0x41: {  	s31 =	sadd.s32 $0x0, s14;
	[bflag:$0x0] =	sbarrier.arrive $0xFFFF  }
0x42: {  	[tilespmem:s2], [sflag:$0x1] =	stream.linear.gather [hbm4b:s31+s2], $0x50, $0x38;
	[tilespmem:$0x778] =	vst v63  }
0x43: {  	_ =	swait.ge [sflag:s15], $0x50  }
0x44: {  	[sflag:s15] =	ssyncset.done $0x0  }
0x45: {  	[sflag:s15] =	ssyncadd.s32 $0xFFFFFFB0  }
0x46: {  	[spmem:s1] =	stream.indirect.scatter.add.f32 [tilespmem:s17], [sflag:$0x1], $0x1, s2, s16, $0xb8;
	[tilespmem:$0x778] =	vst v63  }
0x47: {  	_ =	swait.ge [sflag:s15], $0x50  }
0x48: {  	s20 =	simm.s32 $0xA;
	s21 =	simm.s32 $0x14;
	[sflag:s15] =	ssyncset.done $0x0  }
.LBB2_4:
0x49: {  	s22 =	sadd.s32 s20, s14  }
0x4a: {  	[sflag:s15] =	ssyncadd.s32 $0xFFFFFFB0;
	s20 =	smov.u32 s21;
	s23 =	sadd.s32 $0xA, s21  }
0x4b: {  	[tilespmem:s2], [sflag:$0x1] =	stream.linear.gather [hbm4b:s22+s2], $0x50, $0x38;
	[tilespmem:$0x778] =	vst v63  }
0x4c: {  	p1 =	sne.s32 s21, $0x4D8;
	_ =	swait.ge [sflag:s15], $0x50  }
.Ltmp1:
0x4d: {  	[sflag:s15] =	ssyncset.done $0x0;
	(pc) =	sbr.rel @p1 .LBB2_4-.Ltmp1, $4  }
0x4e: {  	[sflag:s15] =	ssyncadd.s32 $0xFFFFFFB0  }
0x4f: {  	[spmem:s1] =	stream.indirect.scatter.add.f32 [tilespmem:s17], [sflag:$0x1], $0x1, s2, s16, $0xb8;
	[tilespmem:$0x778] =	vst v63  }
0x50: {  	_ =	swait.ge [sflag:s15], $0x50  }
0x51: {  	s21 =	smov.u32 s23;
	[sflag:s15] =	ssyncset.done $0x0  }
0x52: {  	s20 =	sadd.s32 s20, s14;
	[sflag:s15] =	ssyncadd.s32 $0xFFFFFFB0  }
0x53: {  	[tilespmem:s2], [sflag:$0x1] =	stream.linear.gather [hbm4b:s20+s2], $0x50, $0x38;
	[tilespmem:$0x778] =	vst v63  }
0x54: {  	_ =	swait.ge [sflag:s15], $0x50  }
0x55: {  	[sflag:s15] =	ssyncset.done $0x0  }
0x56: {  	[sflag:s15] =	ssyncadd.s32 $0xFFFFFFB0  }
0x57: {  	[spmem:s1] =	stream.indirect.scatter.add.f32 [tilespmem:s17], [sflag:$0x1], $0x1, s2, s16, $0xb8;
	[tilespmem:$0x778] =	vst v63  }
0x58: {  	s21 =	simm.s32 @!p0 $0x20;
	_ =	swait.ge [sflag:s15], $0x50  }
0x59: {  	s22 =	simm.s32 @!p0 $0x10;
	s19 =	sadd.s32 $0x1, s19;
	[sflag:s15] =	ssyncset.done $0x0  }
0x5a: {  	s23 =	simm.s32 @!p0 $0x1C01;
	p1 =	sne.s32 s19, s5;
	[sflag:s15] =	ssyncadd.s32 $0xFFFFFFB0  }
.Ltmp2:
0x5b: {  	s20 =	simm.s32 @!p0 $0x1;
	[bflag:$0x0] =	sbarrier.arrive $0xFFFF;
	(pc) =	sbr.rel @p1 .LBB2_1-.Ltmp2, $4  }
0x5c: {  	[hbm:s4@s21], [sflag:s23] =	dma.strided @!p0 [spmem:s18@s22], $0x4F0, s20, $0x10   }
0x5d: {  	_ =	swait.ge @!p0 [sflag:s20], $0x4F0  }
0x5e: {  	[sflag:s20] =	ssyncset.done @!p0 $0x0  }
0x5f: {  	[sflag:s20] =	ssyncadd.s32 @!p0 $0xFFFFFB10  }
0x60: {  	_ =	sfence.sel $0x180000  }
0x61: {  	[bflag:$0x0] =	sbarrier.arrive $0xFFFF  }
0x62: {  	_ =	strace $0x90000047  }
0x63: {  	s0 =	sadd.s32 @!p0 $0x100000, s0;
	[bflag:$0x2] =	sbarrier.arrive $0xFFFF  }
0x64: {  	[sflag:s0] =	ssyncadd.tile.s32 @!p0 $0x1;
	_ =	shalt  }
.Lfunc_end2:
_tile_overlayer_lowered:
.L_overlay_start_2:
0x65: {  	(tag) =	ssettag $0x2  }
0x66: {  	s0 =	rddreg [dreg:$0x0];
	s2 =	stileid.u32  }
0x67: {  	s1 =	rddreg [dreg:$0x1];
	p0 =	sne.s32 s2, $0x0  }
0x68: {  	s3 =	rddreg [dreg:$0x2];
	[bflag:$0x3] =	sbarrier.arrive $0xFFFF;
	s2 =	simm.s32 @!p0 $0x1C01  }
0x69: {  	[timem:s3], [sflag:s2] =	dma.local @!p0 [hbm:s0], s1  }
0x6a: {  	s0 =	simm.s32 @!p0 $0x1  }
0x6b: {  	_ =	swait.ge @!p0 [sflag:s0], s1  }
0x6c: {  	s1 =	ssub.s32 @!p0 $0x0, s1;
	[sflag:s0] =	ssyncset.done @!p0 $0x0  }
0x6d: {  	[sflag:s0] =	ssyncadd.s32 @!p0 s1  }
0x6e: {  	[bflag:$0x3] =	sbarrier.arrive $0xFFFF  }
0x6f: {  	_ =	shalt  }

</sc_bundles>
